<compile_context>
chip_gen: v7x
topology: tpu7x:2x2x1
jax: 0.10.2.dev20260603
libtpu: 0.0.44.dev20260713+nightly
codegen_flags: <defaults>
</compile_context>

<pallas_src>
import functools

import jax
import jax.numpy as jnp
from jax import lax
from jax.experimental import pallas as pl
from jax.experimental.pallas import tpu as pltpu
from jax.experimental.pallas import tpu_sc as plsc

K = 1024
D = 32
N_TOK = 32 * 32 * 32 * 32 // D

T_BLK = 512
N_BLK = N_TOK // T_BLK

NC, NS = 2, 16
NW = NC * NS
BPW = N_TOK // NW
L = 16


def _argmin_body(x_ref, e_ref, idx_ref):
    x = x_ref[...]
    e = e_ref[...]
    scores = lax.dot_general(x, e, (((1,), (0,)), ((), ())),
                             preferred_element_type=jnp.float32)
    en2 = jnp.sum(e * e, axis=0, keepdims=True)
    xn2 = jnp.sum(x * x, axis=1, keepdims=True)
    dist = (xn2 + en2) - 2.0 * scores
    idx_ref[...] = jnp.argmin(dist, axis=1).astype(jnp.int32)


def _tc_argmin(x2d, e):
    return pl.pallas_call(
        _argmin_body,
        grid=(N_BLK,),
        in_specs=[
            pl.BlockSpec((T_BLK, D), lambda i: (i, 0)),
            pl.BlockSpec((D, K), lambda i: (0, 0)),
        ],
        out_specs=pl.BlockSpec((T_BLK,), lambda i: (i,)),
        out_shape=jax.ShapeDtypeStruct((N_TOK,), jnp.int32),
    )(x2d, e)


@functools.partial(
    pl.kernel,
    mesh=plsc.VectorSubcoreMesh(core_axis_name="c", subcore_axis_name="s"),
    out_type=jax.ShapeDtypeStruct((N_TOK * D,), jnp.float32),
    scratch_types=[
        pltpu.VMEM((K * D,), jnp.float32),
        pltpu.VMEM((BPW,), jnp.int32),
        pltpu.VMEM((BPW * D,), jnp.float32),
    ],
    compiler_params=pltpu.CompilerParams(needs_layout_passes=False),
)
def _sc_gather(table_hbm, idx_hbm, out_hbm, table_v, idx_v, out_v):
    wid = lax.axis_index("s") * NC + lax.axis_index("c")
    pltpu.sync_copy(table_hbm, table_v)
    pltpu.sync_copy(idx_hbm.at[pl.ds(wid * BPW, BPW)], idx_v)

    @plsc.parallel_loop(0, BPW // L, unroll=2)
    def _copy_rows(g):
        v = idx_v[pl.ds(g * L, L)]
        for j in range(L):
            base = v[j] * D
            o = (g * L + j) * D
            out_v[pl.ds(o, L)] = table_v[pl.ds(base, L)]
            out_v[pl.ds(o + L, L)] = table_v[pl.ds(base + L, L)]

    pltpu.sync_copy(out_v, out_hbm.at[pl.ds(wid * BPW * D, BPW * D)])


def kernel(x, embeddings):
    x2d = x.reshape(N_TOK, D)
    idx = _tc_argmin(x2d, embeddings)
    table = embeddings.T.reshape(K * D)
    q = _sc_gather(table, idx)
    return q.reshape(x.shape)

# --- scband reference (transcript-rebuilt; emitter-appended) ---
"""Pipeline reference for scband-vector-quantiser-22625887715902 (READ-ONLY COPY).

The authoritative reference and input builder live on the scoring server;
editing this copy changes nothing except your own understanding.
"""

import jax, jax.numpy as jnp
import numpy as np

NUM_EMBEDDINGS = 1024
EMBED_DIM = 32

def setup_inputs(seed: int = 0) -> dict:
    key = jax.random.key(seed)
    k1, k2 = jax.random.split(key)
    x = jax.random.normal(k1, (32, 32, 32, 32), dtype=jnp.float32)
    # tf.random_uniform_initializer default: uniform in [-0.05, 0.05)
    embeddings = jax.random.uniform(k2, (EMBED_DIM, NUM_EMBEDDINGS), dtype=jnp.float32, minval=-0.05, maxval=0.05)
    return {"x": x, "embeddings": embeddings}

def reference(x, embeddings):
    input_shape = x.shape
    flattened = x.reshape(-1, EMBED_DIM)
    # squared euclidean distances to each codebook column
    distances = (jnp.sum(flattened ** 2, axis=1, keepdims=True)
                 + jnp.sum(embeddings ** 2, axis=0)
                 - 2.0 * flattened @ embeddings)
    encoding_indices = jnp.argmin(distances, axis=1)
    encodings = jax.nn.one_hot(encoding_indices, NUM_EMBEDDINGS, dtype=jnp.float32)
    quantized = encodings @ embeddings.T
    unflattened = quantized.reshape(input_shape)
    # straight-through estimator output (losses are side-effects via add_loss; forward return is STE)
    out = x + jax.lax.stop_gradient(unflattened - x)
    return out

if __name__ == "__main__":
    import jax
    _d = setup_inputs()
    print(jax.jit(kernel)(*tuple(_d.values())))

</pallas_src>

<mosaic_0001>
#map = affine_map<(d0, d1) -> (0)>
module attributes {stable_mosaic.version = 14 : i64} {
  func.func @_sc_gather(%arg0: i32, %arg1: i32, %arg2: memref<32768xf32, #tpu.memory_space<hbm>>, %arg3: memref<32768xi32, #tpu.memory_space<hbm>>, %arg4: memref<1048576xf32, #tpu.memory_space<hbm>>, %arg5: memref<32768xf32, #tpu.memory_space<vmem>>, %arg6: memref<1024xi32, #tpu.memory_space<vmem>>, %arg7: memref<32768xf32, #tpu.memory_space<vmem>>) attributes {dimension_semantics = [#tpu.dimension_semantics<core_parallel>, #tpu.dimension_semantics<subcore_parallel>], iteration_bounds = array<i64: 2, 16>, scalar_prefetch = 0 : i64, scratch_operands = 3 : i64, tpu.core_type = #tpu.core_type<sc_vector_subcore>, window_params = [{transform_indices = #map}, {transform_indices = #map}, {transform_indices = #map}]} {
    %mul3A = arith.constant 2 : i32
    %mul3A_0 = arith.muli %arg1, %mul3A : i32
    %add3A = arith.addi %mul3A_0, %arg0 : i32
    "tpu.region"() ({
      %run_scoped3A = tpu.sem_alloc : memref<!tpu.dma_semaphore, #tpu.memory_space<semaphore_mem>>
      tpu.enqueue_dma source(%arg2 : memref<32768xf32, #tpu.memory_space<hbm>>) target(%arg5 : memref<32768xf32, #tpu.memory_space<vmem>>) target_semaphore(%run_scoped3A : memref<!tpu.dma_semaphore, #tpu.memory_space<semaphore_mem>>)
      tpu.wait_dma2 semaphore(%run_scoped3A : memref<!tpu.dma_semaphore, #tpu.memory_space<semaphore_mem>>) src(%arg2 : memref<32768xf32, #tpu.memory_space<hbm>>) dst(%arg5 : memref<32768xf32, #tpu.memory_space<vmem>>)
      tpu.yield
    }) : () -> ()
    %mul3A_1 = arith.constant 1024 : i32
    %mul3A_2 = arith.muli %add3A, %mul3A_1 : i32
    "tpu.region"() ({
      %run_scoped3A = tpu.sem_alloc : memref<!tpu.dma_semaphore, #tpu.memory_space<semaphore_mem>>
      %dma_start3A = tpu.memref_slice %arg3[%mul3A_2] : memref<32768xi32, #tpu.memory_space<hbm>> -> memref<1024xi32, #tpu.memory_space<hbm>>
      %dma_start3A_9 = tpu.memref_slice %arg3[%mul3A_2] : memref<32768xi32, #tpu.memory_space<hbm>> -> memref<1024xi32, #tpu.memory_space<hbm>>
      tpu.enqueue_dma source(%dma_start3A_9 : memref<1024xi32, #tpu.memory_space<hbm>>) target(%arg6 : memref<1024xi32, #tpu.memory_space<vmem>>) target_semaphore(%run_scoped3A : memref<!tpu.dma_semaphore, #tpu.memory_space<semaphore_mem>>)
      %dma_wait3A = tpu.memref_slice %arg3[%mul3A_2] : memref<32768xi32, #tpu.memory_space<hbm>> -> memref<1024xi32, #tpu.memory_space<hbm>>
      %dma_wait3A_10 = tpu.memref_slice %arg3[%mul3A_2] : memref<32768xi32, #tpu.memory_space<hbm>> -> memref<1024xi32, #tpu.memory_space<hbm>>
      tpu.wait_dma2 semaphore(%run_scoped3A : memref<!tpu.dma_semaphore, #tpu.memory_space<semaphore_mem>>) src(%dma_wait3A_10 : memref<1024xi32, #tpu.memory_space<hbm>>) dst(%arg6 : memref<1024xi32, #tpu.memory_space<vmem>>)
      tpu.yield
    }) : () -> ()
    %parallel_loop3A = arith.constant 0 : i32
    %parallel_loop3A_3 = arith.constant 64 : i32
    %parallel_loop3A_4 = arith.constant 1 : i32
    scf.for %parallel_loop3A_9 = %parallel_loop3A to %parallel_loop3A_3 step %parallel_loop3A_4  : i32 {
      %parallel_loop3A_10 = arith.constant 16 : i32
      %parallel_loop3A_11 = arith.muli %parallel_loop3A_9, %parallel_loop3A_10 : i32
      %parallel_loop3A_12 = arith.index_cast %parallel_loop3A_11 : i32 to index
      %parallel_loop3A_13 = tpu.vector_load %arg6[%parallel_loop3A_12] {strides = array<i32>} : memref<1024xi32, #tpu.memory_space<vmem>>, vector<16xi32>,
      %parallel_loop3A_14 = vector.extract_strided_slice %parallel_loop3A_13 {offsets = [0], sizes = [1], strides = [1]} : vector<16xi32> to vector<1xi32>
      %parallel_loop3A_15 = vector.extract %parallel_loop3A_14[0] : i32 from vector<1xi32>
      %parallel_loop3A_16 = arith.constant 32 : i32
      %parallel_loop3A_17 = arith.muli %parallel_loop3A_15, %parallel_loop3A_16 : i32
      %parallel_loop3A_18 = arith.constant 16 : i32
      %parallel_loop3A_19 = arith.muli %parallel_loop3A_9, %parallel_loop3A_18 : i32
      %parallel_loop3A_20 = arith.constant 0 : i32
      %parallel_loop3A_21 = arith.addi %parallel_loop3A_19, %parallel_loop3A_20 : i32
      %parallel_loop3A_22 = arith.constant 32 : i32
      %parallel_loop3A_23 = arith.muli %parallel_loop3A_21, %parallel_loop3A_22 : i32
      %parallel_loop3A_24 = arith.index_cast %parallel_loop3A_17 : i32 to index
      %parallel_loop3A_25 = tpu.vector_load %arg5[%parallel_loop3A_24] {strides = array<i32>} : memref<32768xf32, #tpu.memory_space<vmem>>, vector<16xf32>,
      %parallel_loop3A_26 = arith.index_cast %parallel_loop3A_23 : i32 to index
      %parallel_loop3A_27 = tpu.vector_load %arg7[%parallel_loop3A_26] {strides = array<i32>} : memref<32768xf32, #tpu.memory_space<vmem>>, vector<16xf32>,
      tpu.vector_store %arg7[%parallel_loop3A_26], %parallel_loop3A_25 {strides = array<i32>} : memref<32768xf32, #tpu.memory_space<vmem>>, vector<16xf32>,
      %parallel_loop3A_28 = arith.constant 16 : i32
      %parallel_loop3A_29 = arith.addi %parallel_loop3A_17, %parallel_loop3A_28 : i32
      %parallel_loop3A_30 = arith.index_cast %parallel_loop3A_29 : i32 to index
      %parallel_loop3A_31 = tpu.vector_load %arg5[%parallel_loop3A_30] {strides = array<i32>} : memref<32768xf32, #tpu.memory_space<vmem>>, vector<16xf32>,
      %parallel_loop3A_32 = arith.constant 16 : i32
      %parallel_loop3A_33 = arith.addi %parallel_loop3A_23, %parallel_loop3A_32 : i32
      %parallel_loop3A_34 = arith.index_cast %parallel_loop3A_33 : i32 to index
      %parallel_loop3A_35 = tpu.vector_load %arg7[%parallel_loop3A_34] {strides = array<i32>} : memref<32768xf32, #tpu.memory_space<vmem>>, vector<16xf32>,
      tpu.vector_store %arg7[%parallel_loop3A_34], %parallel_loop3A_31 {strides = array<i32>} : memref<32768xf32, #tpu.memory_space<vmem>>, vector<16xf32>,
      %parallel_loop3A_36 = vector.extract_strided_slice %parallel_loop3A_13 {offsets = [1], sizes = [1], strides = [1]} : vector<16xi32> to vector<1xi32>
      %parallel_loop3A_37 = vector.extract %parallel_loop3A_36[0] : i32 from vector<1xi32>
      %parallel_loop3A_38 = arith.constant 32 : i32
      %parallel_loop3A_39 = arith.muli %parallel_loop3A_37, %parallel_loop3A_38 : i32
      %parallel_loop3A_40 = arith.constant 16 : i32
      %parallel_loop3A_41 = arith.muli %parallel_loop3A_9, %parallel_loop3A_40 : i32
      %parallel_loop3A_42 = arith.constant 1 : i32
      %parallel_loop3A_43 = arith.addi %parallel_loop3A_41, %parallel_loop3A_42 : i32
      %parallel_loop3A_44 = arith.constant 32 : i32
      %parallel_loop3A_45 = arith.muli %parallel_loop3A_43, %parallel_loop3A_44 : i32
      %parallel_loop3A_46 = arith.index_cast %parallel_loop3A_39 : i32 to index
      %parallel_loop3A_47 = tpu.vector_load %arg5[%parallel_loop3A_46] {strides = array<i32>} : memref<32768xf32, #tpu.memory_space<vmem>>, vector<16xf32>,
      %parallel_loop3A_48 = arith.index_cast %parallel_loop3A_45 : i32 to index
      %parallel_loop3A_49 = tpu.vector_load %arg7[%parallel_loop3A_48] {strides = array<i32>} : memref<32768xf32, #tpu.memory_space<vmem>>, vector<16xf32>,
      tpu.vector_store %arg7[%parallel_loop3A_48], %parallel_loop3A_47 {strides = array<i32>} : memref<32768xf32, #tpu.memory_space<vmem>>, vector<16xf32>,
      %parallel_loop3A_50 = arith.constant 16 : i32
      %parallel_loop3A_51 = arith.addi %parallel_loop3A_39, %parallel_loop3A_50 : i32
      %parallel_loop3A_52 = arith.index_cast %parallel_loop3A_51 : i32 to index
      %parallel_loop3A_53 = tpu.vector_load %arg5[%parallel_loop3A_52] {strides = array<i32>} : memref<32768xf32, #tpu.memory_space<vmem>>, vector<16xf32>,
      %parallel_loop3A_54 = arith.constant 16 : i32
      %parallel_loop3A_55 = arith.addi %parallel_loop3A_45, %parallel_loop3A_54 : i32
      %parallel_loop3A_56 = arith.index_cast %parallel_loop3A_55 : i32 to index
      %parallel_loop3A_57 = tpu.vector_load %arg7[%parallel_loop3A_56] {strides = array<i32>} : memref<32768xf32, #tpu.memory_space<vmem>>, vector<16xf32>,
      tpu.vector_store %arg7[%parallel_loop3A_56], %parallel_loop3A_53 {strides = array<i32>} : memref<32768xf32, #tpu.memory_space<vmem>>, vector<16xf32>,
      %parallel_loop3A_58 = vector.extract_strided_slice %parallel_loop3A_13 {offsets = [2], sizes = [1], strides = [1]} : vector<16xi32> to vector<1xi32>
      %parallel_loop3A_59 = vector.extract %parallel_loop3A_58[0] : i32 from vector<1xi32>
      %parallel_loop3A_60 = arith.constant 32 : i32
      %parallel_loop3A_61 = arith.muli %parallel_loop3A_59, %parallel_loop3A_60 : i32
      %parallel_loop3A_62 = arith.constant 16 : i32
      %parallel_loop3A_63 = arith.muli %parallel_loop3A_9, %parallel_loop3A_62 : i32
      %parallel_loop3A_64 = arith.constant 2 : i32
      %parallel_loop3A_65 = arith.addi %parallel_loop3A_63, %parallel_loop3A_64 : i32
      %parallel_loop3A_66 = arith.constant 32 : i32
      %parallel_loop3A_67 = arith.muli %parallel_loop3A_65, %parallel_loop3A_66 : i32
      %parallel_loop3A_68 = arith.index_cast %parallel_loop3A_61 : i32 to index
      %parallel_loop3A_69 = tpu.vector_load %arg5[%parallel_loop3A_68] {strides = array<i32>} : memref<32768xf32, #tpu.memory_space<vmem>>, vector<16xf32>,
      %parallel_loop3A_70 = arith.index_cast %parallel_loop3A_67 : i32 to index
      %parallel_loop3A_71 = tpu.vector_load %arg7[%parallel_loop3A_70] {strides = array<i32>} : memref<32768xf32, #tpu.memory_space<vmem>>, vector<16xf32>,
      tpu.vector_store %arg7[%parallel_loop3A_70], %parallel_loop3A_69 {strides = array<i32>} : memref<32768xf32, #tpu.memory_space<vmem>>, vector<16xf32>,
      %parallel_loop3A_72 = arith.constant 16 : i32
      %parallel_loop3A_73 = arith.addi %parallel_loop3A_61, %parallel_loop3A_72 : i32
      %parallel_loop3A_74 = arith.index_cast %parallel_loop3A_73 : i32 to index
      %parallel_loop3A_75 = tpu.vector_load %arg5[%parallel_loop3A_74] {strides = array<i32>} : memref<32768xf32, #tpu.memory_space<vmem>>, vector<16xf32>,
      %parallel_loop3A_76 = arith.constant 16 : i32
      %parallel_loop3A_77 = arith.addi %parallel_loop3A_67, %parallel_loop3A_76 : i32
      %parallel_loop3A_78 = arith.index_cast %parallel_loop3A_77 : i32 to index
      %parallel_loop3A_79 = tpu.vector_load %arg7[%parallel_loop3A_78] {strides = array<i32>} : memref<32768xf32, #tpu.memory_space<vmem>>, vector<16xf32>,
      tpu.vector_store %arg7[%parallel_loop3A_78], %parallel_loop3A_75 {strides = array<i32>} : memref<32768xf32, #tpu.memory_space<vmem>>, vector<16xf32>,
      %parallel_loop3A_80 = vector.extract_strided_slice %parallel_loop3A_13 {offsets = [3], sizes = [1], strides = [1]} : vector<16xi32> to vector<1xi32>
      %parallel_loop3A_81 = vector.extract %parallel_loop3A_80[0] : i32 from vector<1xi32>
      %parallel_loop3A_82 = arith.constant 32 : i32
      %parallel_loop3A_83 = arith.muli %parallel_loop3A_81, %parallel_loop3A_82 : i32
      %parallel_loop3A_84 = arith.constant 16 : i32
      %parallel_loop3A_85 = arith.muli %parallel_loop3A_9, %parallel_loop3A_84 : i32
      %parallel_loop3A_86 = arith.constant 3 : i32
      %parallel_loop3A_87 = arith.addi %parallel_loop3A_85, %parallel_loop3A_86 : i32
      %parallel_loop3A_88 = arith.constant 32 : i32
      %parallel_loop3A_89 = arith.muli %parallel_loop3A_87, %parallel_loop3A_88 : i32
      %parallel_loop3A_90 = arith.index_cast %parallel_loop3A_83 : i32 to index
      %parallel_loop3A_91 = tpu.vector_load %arg5[%parallel_loop3A_90] {strides = array<i32>} : memref<32768xf32, #tpu.memory_space<vmem>>, vector<16xf32>,
      %parallel_loop3A_92 = arith.index_cast %parallel_loop3A_89 : i32 to index
      %parallel_loop3A_93 = tpu.vector_load %arg7[%parallel_loop3A_92] {strides = array<i32>} : memref<32768xf32, #tpu.memory_space<vmem>>, vector<16xf32>,
      tpu.vector_store %arg7[%parallel_loop3A_92], %parallel_loop3A_91 {strides = array<i32>} : memref<32768xf32, #tpu.memory_space<vmem>>, vector<16xf32>,
      %parallel_loop3A_94 = arith.constant 16 : i32
      %parallel_loop3A_95 = arith.addi %parallel_loop3A_83, %parallel_loop3A_94 : i32
      %parallel_loop3A_96 = arith.index_cast %parallel_loop3A_95 : i32 to index
      %parallel_loop3A_97 = tpu.vector_load %arg5[%parallel_loop3A_96] {strides = array<i32>} : memref<32768xf32, #tpu.memory_space<vmem>>, vector<16xf32>,
      %parallel_loop3A_98 = arith.constant 16 : i32
      %parallel_loop3A_99 = arith.addi %parallel_loop3A_89, %parallel_loop3A_98 : i32
      %parallel_loop3A_100 = arith.index_cast %parallel_loop3A_99 : i32 to index
      %parallel_loop3A_101 = tpu.vector_load %arg7[%parallel_loop3A_100] {strides = array<i32>} : memref<32768xf32, #tpu.memory_space<vmem>>, vector<16xf32>,
      tpu.vector_store %arg7[%parallel_loop3A_100], %parallel_loop3A_97 {strides = array<i32>} : memref<32768xf32, #tpu.memory_space<vmem>>, vector<16xf32>,
      %parallel_loop3A_102 = vector.extract_strided_slice %parallel_loop3A_13 {offsets = [4], sizes = [1], strides = [1]} : vector<16xi32> to vector<1xi32>
      %parallel_loop3A_103 = vector.extract %parallel_loop3A_102[0] : i32 from vector<1xi32>
      %parallel_loop3A_104 = arith.constant 32 : i32
      %parallel_loop3A_105 = arith.muli %parallel_loop3A_103, %parallel_loop3A_104 : i32
      %parallel_loop3A_106 = arith.constant 16 : i32
      %parallel_loop3A_107 = arith.muli %parallel_loop3A_9, %parallel_loop3A_106 : i32
      %parallel_loop3A_108 = arith.constant 4 : i32
      %parallel_loop3A_109 = arith.addi %parallel_loop3A_107, %parallel_loop3A_108 : i32
      %parallel_loop3A_110 = arith.constant 32 : i32
      %parallel_loop3A_111 = arith.muli %parallel_loop3A_109, %parallel_loop3A_110 : i32
      %parallel_loop3A_112 = arith.index_cast %parallel_loop3A_105 : i32 to index
      %parallel_loop3A_113 = tpu.vector_load %arg5[%parallel_loop3A_112] {strides = array<i32>} : memref<32768xf32, #tpu.memory_space<vmem>>, vector<16xf32>,
      %parallel_loop3A_114 = arith.index_cast %parallel_loop3A_111 : i32 to index
      %parallel_loop3A_115 = tpu.vector_load %arg7[%parallel_loop3A_114] {strides = array<i32>} : memref<32768xf32, #tpu.memory_space<vmem>>, vector<16xf32>,
      tpu.vector_store %arg7[%parallel_loop3A_114], %parallel_loop3A_113 {strides = array<i32>} : memref<32768xf32, #tpu.memory_space<vmem>>, vector<16xf32>,
      %parallel_loop3A_116 = arith.constant 16 : i32
      %parallel_loop3A_117 = arith.addi %parallel_loop3A_105, %parallel_loop3A_116 : i32
      %parallel_loop3A_118 = arith.index_cast %parallel_loop3A_117 : i32 to index
      %parallel_loop3A_119 = tpu.vector_load %arg5[%parallel_loop3A_118] {strides = array<i32>} : memref<32768xf32, #tpu.memory_space<vmem>>, vector<16xf32>,
      %parallel_loop3A_120 = arith.constant 16 : i32
      %parallel_loop3A_121 = arith.addi %parallel_loop3A_111, %parallel_loop3A_120 : i32
      %parallel_loop3A_122 = arith.index_cast %parallel_loop3A_121 : i32 to index
      %parallel_loop3A_123 = tpu.vector_load %arg7[%parallel_loop3A_122] {strides = array<i32>} : memref<32768xf32, #tpu.memory_space<vmem>>, vector<16xf32>,
      tpu.vector_store %arg7[%parallel_loop3A_122], %parallel_loop3A_119 {strides = array<i32>} : memref<32768xf32, #tpu.memory_space<vmem>>, vector<16xf32>,
      %parallel_loop3A_124 = vector.extract_strided_slice %parallel_loop3A_13 {offsets = [5], sizes = [1], strides = [1]} : vector<16xi32> to vector<1xi32>
      %parallel_loop3A_125 = vector.extract %parallel_loop3A_124[0] : i32 from vector<1xi32>
      %parallel_loop3A_126 = arith.constant 32 : i32
      %parallel_loop3A_127 = arith.muli %parallel_loop3A_125, %parallel_loop3A_126 : i32
      %parallel_loop3A_128 = arith.constant 16 : i32
      %parallel_loop3A_129 = arith.muli %parallel_loop3A_9, %parallel_loop3A_128 : i32
      %parallel_loop3A_130 = arith.constant 5 : i32
      %parallel_loop3A_131 = arith.addi %parallel_loop3A_129, %parallel_loop3A_130 : i32
      %parallel_loop3A_132 = arith.constant 32 : i32
      %parallel_loop3A_133 = arith.muli %parallel_loop3A_131, %parallel_loop3A_132 : i32
      %parallel_loop3A_134 = arith.index_cast %parallel_loop3A_127 : i32 to index
      %parallel_loop3A_135 = tpu.vector_load %arg5[%parallel_loop3A_134] {strides = array<i32>} : memref<32768xf32, #tpu.memory_space<vmem>>, vector<16xf32>,
      %parallel_loop3A_136 = arith.index_cast %parallel_loop3A_133 : i32 to index
      %parallel_loop3A_137 = tpu.vector_load %arg7[%parallel_loop3A_136] {strides = array<i32>} : memref<32768xf32, #tpu.memory_space<vmem>>, vector<16xf32>,
      tpu.vector_store %arg7[%parallel_loop3A_136], %parallel_loop3A_135 {strides = array<i32>} : memref<32768xf32, #tpu.memory_space<vmem>>, vector<16xf32>,
      %parallel_loop3A_138 = arith.constant 16 : i32
      %parallel_loop3A_139 = arith.addi %parallel_loop3A_127, %parallel_loop3A_138 : i32
      %parallel_loop3A_140 = arith.index_cast %parallel_loop3A_139 : i32 to index
      %parallel_loop3A_141 = tpu.vector_load %arg5[%parallel_loop3A_140] {strides = array<i32>} : memref<32768xf32, #tpu.memory_space<vmem>>, vector<16xf32>,
      %parallel_loop3A_142 = arith.constant 16 : i32
      %parallel_loop3A_143 = arith.addi %parallel_loop3A_133, %parallel_loop3A_142 : i32
      %parallel_loop3A_144 = arith.index_cast %parallel_loop3A_143 : i32 to index
      %parallel_loop3A_145 = tpu.vector_load %arg7[%parallel_loop3A_144] {strides = array<i32>} : memref<32768xf32, #tpu.memory_space<vmem>>, vector<16xf32>,
      tpu.vector_store %arg7[%parallel_loop3A_144], %parallel_loop3A_141 {strides = array<i32>} : memref<32768xf32, #tpu.memory_space<vmem>>, vector<16xf32>,
      %parallel_loop3A_146 = vector.extract_strided_slice %parallel_loop3A_13 {offsets = [6], sizes = [1], strides = [1]} : vector<16xi32> to vector<1xi32>
      %parallel_loop3A_147 = vector.extract %parallel_loop3A_146[0] : i32 from vector<1xi32>
      %parallel_loop3A_148 = arith.constant 32 : i32
      %parallel_loop3A_149 = arith.muli %parallel_loop3A_147, %parallel_loop3A_148 : i32
      %parallel_loop3A_150 = arith.constant 16 : i32
      %parallel_loop3A_151 = arith.muli %parallel_loop3A_9, %parallel_loop3A_150 : i32
      %parallel_loop3A_152 = arith.constant 6 : i32
      %parallel_loop3A_153 = arith.addi %parallel_loop3A_151, %parallel_loop3A_152 : i32
      %parallel_loop3A_154 = arith.constant 32 : i32
      %parallel_loop3A_155 = arith.muli %parallel_loop3A_153, %parallel_loop3A_154 : i32
      %parallel_loop3A_156 = arith.index_cast %parallel_loop3A_149 : i32 to index
      %parallel_loop3A_157 = tpu.vector_load %arg5[%parallel_loop3A_156] {strides = array<i32>} : memref<32768xf32, #tpu.memory_space<vmem>>, vector<16xf32>,
      %parallel_loop3A_158 = arith.index_cast %parallel_loop3A_155 : i32 to index
      %parallel_loop3A_159 = tpu.vector_load %arg7[%parallel_loop3A_158] {strides = array<i32>} : memref<32768xf32, #tpu.memory_space<vmem>>, vector<16xf32>,
      tpu.vector_store %arg7[%parallel_loop3A_158], %parallel_loop3A_157 {strides = array<i32>} : memref<32768xf32, #tpu.memory_space<vmem>>, vector<16xf32>,
      %parallel_loop3A_160 = arith.constant 16 : i32
      %parallel_loop3A_161 = arith.addi %parallel_loop3A_149, %parallel_loop3A_160 : i32
      %parallel_loop3A_162 = arith.index_cast %parallel_loop3A_161 : i32 to index
      %parallel_loop3A_163 = tpu.vector_load %arg5[%parallel_loop3A_162] {strides = array<i32>} : memref<32768xf32, #tpu.memory_space<vmem>>, vector<16xf32>,
      %parallel_loop3A_164 = arith.constant 16 : i32
      %parallel_loop3A_165 = arith.addi %parallel_loop3A_155, %parallel_loop3A_164 : i32
      %parallel_loop3A_166 = arith.index_cast %parallel_loop3A_165 : i32 to index
      %parallel_loop3A_167 = tpu.vector_load %arg7[%parallel_loop3A_166] {strides = array<i32>} : memref<32768xf32, #tpu.memory_space<vmem>>, vector<16xf32>,
      tpu.vector_store %arg7[%parallel_loop3A_166], %parallel_loop3A_163 {strides = array<i32>} : memref<32768xf32, #tpu.memory_space<vmem>>, vector<16xf32>,
      %parallel_loop3A_168 = vector.extract_strided_slice %parallel_loop3A_13 {offsets = [7], sizes = [1], strides = [1]} : vector<16xi32> to vector<1xi32>
      %parallel_loop3A_169 = vector.extract %parallel_loop3A_168[0] : i32 from vector<1xi32>
      %parallel_loop3A_170 = arith.constant 32 : i32
      %parallel_loop3A_171 = arith.muli %parallel_loop3A_169, %parallel_loop3A_170 : i32
      %parallel_loop3A_172 = arith.constant 16 : i32
      %parallel_loop3A_173 = arith.muli %parallel_loop3A_9, %parallel_loop3A_172 : i32
      %parallel_loop3A_174 = arith.constant 7 : i32
      %parallel_loop3A_175 = arith.addi %parallel_loop3A_173, %parallel_loop3A_174 : i32
      %parallel_loop3A_176 = arith.constant 32 : i32
      %parallel_loop3A_177 = arith.muli %parallel_loop3A_175, %parallel_loop3A_176 : i32
      %parallel_loop3A_178 = arith.index_cast %parallel_loop3A_171 : i32 to index
      %parallel_loop3A_179 = tpu.vector_load %arg5[%parallel_loop3A_178] {strides = array<i32>} : memref<32768xf32, #tpu.memory_space<vmem>>, vector<16xf32>,
      %parallel_loop3A_180 = arith.index_cast %parallel_loop3A_177 : i32 to index
      %parallel_loop3A_181 = tpu.vector_load %arg7[%parallel_loop3A_180] {strides = array<i32>} : memref<32768xf32, #tpu.memory_space<vmem>>, vector<16xf32>,
      tpu.vector_store %arg7[%parallel_loop3A_180], %parallel_loop3A_179 {strides = array<i32>} : memref<32768xf32, #tpu.memory_space<vmem>>, vector<16xf32>,
      %parallel_loop3A_182 = arith.constant 16 : i32
      %parallel_loop3A_183 = arith.addi %parallel_loop3A_171, %parallel_loop3A_182 : i32
      %parallel_loop3A_184 = arith.index_cast %parallel_loop3A_183 : i32 to index
      %parallel_loop3A_185 = tpu.vector_load %arg5[%parallel_loop3A_184] {strides = array<i32>} : memref<32768xf32, #tpu.memory_space<vmem>>, vector<16xf32>,
      %parallel_loop3A_186 = arith.constant 16 : i32
      %parallel_loop3A_187 = arith.addi %parallel_loop3A_177, %parallel_loop3A_186 : i32
      %parallel_loop3A_188 = arith.index_cast %parallel_loop3A_187 : i32 to index
      %parallel_loop3A_189 = tpu.vector_load %arg7[%parallel_loop3A_188] {strides = array<i32>} : memref<32768xf32, #tpu.memory_space<vmem>>, vector<16xf32>,
      tpu.vector_store %arg7[%parallel_loop3A_188], %parallel_loop3A_185 {strides = array<i32>} : memref<32768xf32, #tpu.memory_space<vmem>>, vector<16xf32>,
      %parallel_loop3A_190 = vector.extract_strided_slice %parallel_loop3A_13 {offsets = [8], sizes = [1], strides = [1]} : vector<16xi32> to vector<1xi32>
      %parallel_loop3A_191 = vector.extract %parallel_loop3A_190[0] : i32 from vector<1xi32>
      %parallel_loop3A_192 = arith.constant 32 : i32
      %parallel_loop3A_193 = arith.muli %parallel_loop3A_191, %parallel_loop3A_192 : i32
      %parallel_loop3A_194 = arith.constant 16 : i32
      %parallel_loop3A_195 = arith.muli %parallel_loop3A_9, %parallel_loop3A_194 : i32
      %parallel_loop3A_196 = arith.constant 8 : i32
      %parallel_loop3A_197 = arith.addi %parallel_loop3A_195, %parallel_loop3A_196 : i32
      %parallel_loop3A_198 = arith.constant 32 : i32
      %parallel_loop3A_199 = arith.muli %parallel_loop3A_197, %parallel_loop3A_198 : i32
      %parallel_loop3A_200 = arith.index_cast %parallel_loop3A_193 : i32 to index
      %parallel_loop3A_201 = tpu.vector_load %arg5[%parallel_loop3A_200] {strides = array<i32>} : memref<32768xf32, #tpu.memory_space<vmem>>, vector<16xf32>,
      %parallel_loop3A_202 = arith.index_cast %parallel_loop3A_199 : i32 to index
      %parallel_loop3A_203 = tpu.vector_load %arg7[%parallel_loop3A_202] {strides = array<i32>} : memref<32768xf32, #tpu.memory_space<vmem>>, vector<16xf32>,
      tpu.vector_store %arg7[%parallel_loop3A_202], %parallel_loop3A_201 {strides = array<i32>} : memref<32768xf32, #tpu.memory_space<vmem>>, vector<16xf32>,
      %parallel_loop3A_204 = arith.constant 16 : i32
      %parallel_loop3A_205 = arith.addi %parallel_loop3A_193, %parallel_loop3A_204 : i32
      %parallel_loop3A_206 = arith.index_cast %parallel_loop3A_205 : i32 to index
      %parallel_loop3A_207 = tpu.vector_load %arg5[%parallel_loop3A_206] {strides = array<i32>} : memref<32768xf32, #tpu.memory_space<vmem>>, vector<16xf32>,
      %parallel_loop3A_208 = arith.constant 16 : i32
      %parallel_loop3A_209 = arith.addi %parallel_loop3A_199, %parallel_loop3A_208 : i32
      %parallel_loop3A_210 = arith.index_cast %parallel_loop3A_209 : i32 to index
      %parallel_loop3A_211 = tpu.vector_load %arg7[%parallel_loop3A_210] {strides = array<i32>} : memref<32768xf32, #tpu.memory_space<vmem>>, vector<16xf32>,
      tpu.vector_store %arg7[%parallel_loop3A_210], %parallel_loop3A_207 {strides = array<i32>} : memref<32768xf32, #tpu.memory_space<vmem>>, vector<16xf32>,
      %parallel_loop3A_212 = vector.extract_strided_slice %parallel_loop3A_13 {offsets = [9], sizes = [1], strides = [1]} : vector<16xi32> to vector<1xi32>
      %parallel_loop3A_213 = vector.extract %parallel_loop3A_212[0] : i32 from vector<1xi32>
      %parallel_loop3A_214 = arith.constant 32 : i32
      %parallel_loop3A_215 = arith.muli %parallel_loop3A_213, %parallel_loop3A_214 : i32
      %parallel_loop3A_216 = arith.constant 16 : i32
      %parallel_loop3A_217 = arith.muli %parallel_loop3A_9, %parallel_loop3A_216 : i32
      %parallel_loop3A_218 = arith.constant 9 : i32
      %parallel_loop3A_219 = arith.addi %parallel_loop3A_217, %parallel_loop3A_218 : i32
      %parallel_loop3A_220 = arith.constant 32 : i32
      %parallel_loop3A_221 = arith.muli %parallel_loop3A_219, %parallel_loop3A_220 : i32
      %parallel_loop3A_222 = arith.index_cast %parallel_loop3A_215 : i32 to index
      %parallel_loop3A_223 = tpu.vector_load %arg5[%parallel_loop3A_222] {strides = array<i32>} : memref<32768xf32, #tpu.memory_space<vmem>>, vector<16xf32>,
      %parallel_loop3A_224 = arith.index_cast %parallel_loop3A_221 : i32 to index
      %parallel_loop3A_225 = tpu.vector_load %arg7[%parallel_loop3A_224] {strides = array<i32>} : memref<32768xf32, #tpu.memory_space<vmem>>, vector<16xf32>,
      tpu.vector_store %arg7[%parallel_loop3A_224], %parallel_loop3A_223 {strides = array<i32>} : memref<32768xf32, #tpu.memory_space<vmem>>, vector<16xf32>,
      %parallel_loop3A_226 = arith.constant 16 : i32
      %parallel_loop3A_227 = arith.addi %parallel_loop3A_215, %parallel_loop3A_226 : i32
      %parallel_loop3A_228 = arith.index_cast %parallel_loop3A_227 : i32 to index
      %parallel_loop3A_229 = tpu.vector_load %arg5[%parallel_loop3A_228] {strides = array<i32>} : memref<32768xf32, #tpu.memory_space<vmem>>, vector<16xf32>,
      %parallel_loop3A_230 = arith.constant 16 : i32
      %parallel_loop3A_231 = arith.addi %parallel_loop3A_221, %parallel_loop3A_230 : i32
      %parallel_loop3A_232 = arith.index_cast %parallel_loop3A_231 : i32 to index
      %parallel_loop3A_233 = tpu.vector_load %arg7[%parallel_loop3A_232] {strides = array<i32>} : memref<32768xf32, #tpu.memory_space<vmem>>, vector<16xf32>,
      tpu.vector_store %arg7[%parallel_loop3A_232], %parallel_loop3A_229 {strides = array<i32>} : memref<32768xf32, #tpu.memory_space<vmem>>, vector<16xf32>,
      %parallel_loop3A_234 = vector.extract_strided_slice %parallel_loop3A_13 {offsets = [10], sizes = [1], strides = [1]} : vector<16xi32> to vector<1xi32>
      %parallel_loop3A_235 = vector.extract %parallel_loop3A_234[0] : i32 from vector<1xi32>
      %parallel_loop3A_236 = arith.constant 32 : i32
      %parallel_loop3A_237 = arith.muli %parallel_loop3A_235, %parallel_loop3A_236 : i32
      %parallel_loop3A_238 = arith.constant 16 : i32
      %parallel_loop3A_239 = arith.muli %parallel_loop3A_9, %parallel_loop3A_238 : i32
      %parallel_loop3A_240 = arith.constant 10 : i32
      %parallel_loop3A_241 = arith.addi %parallel_loop3A_239, %parallel_loop3A_240 : i32
      %parallel_loop3A_242 = arith.constant 32 : i32
      %parallel_loop3A_243 = arith.muli %parallel_loop3A_241, %parallel_loop3A_242 : i32
      %parallel_loop3A_244 = arith.index_cast %parallel_loop3A_237 : i32 to index
      %parallel_loop3A_245 = tpu.vector_load %arg5[%parallel_loop3A_244] {strides = array<i32>} : memref<32768xf32, #tpu.memory_space<vmem>>, vector<16xf32>,
      %parallel_loop3A_246 = arith.index_cast %parallel_loop3A_243 : i32 to index
      %parallel_loop3A_247 = tpu.vector_load %arg7[%parallel_loop3A_246] {strides = array<i32>} : memref<32768xf32, #tpu.memory_space<vmem>>, vector<16xf32>,
      tpu.vector_store %arg7[%parallel_loop3A_246], %parallel_loop3A_245 {strides = array<i32>} : memref<32768xf32, #tpu.memory_space<vmem>>, vector<16xf32>,
      %parallel_loop3A_248 = arith.constant 16 : i32
      %parallel_loop3A_249 = arith.addi %parallel_loop3A_237, %parallel_loop3A_248 : i32
      %parallel_loop3A_250 = arith.index_cast %parallel_loop3A_249 : i32 to index
      %parallel_loop3A_251 = tpu.vector_load %arg5[%parallel_loop3A_250] {strides = array<i32>} : memref<32768xf32, #tpu.memory_space<vmem>>, vector<16xf32>,
      %parallel_loop3A_252 = arith.constant 16 : i32
      %parallel_loop3A_253 = arith.addi %parallel_loop3A_243, %parallel_loop3A_252 : i32
      %parallel_loop3A_254 = arith.index_cast %parallel_loop3A_253 : i32 to index
      %parallel_loop3A_255 = tpu.vector_load %arg7[%parallel_loop3A_254] {strides = array<i32>} : memref<32768xf32, #tpu.memory_space<vmem>>, vector<16xf32>,
      tpu.vector_store %arg7[%parallel_loop3A_254], %parallel_loop3A_251 {strides = array<i32>} : memref<32768xf32, #tpu.memory_space<vmem>>, vector<16xf32>,
      %parallel_loop3A_256 = vector.extract_strided_slice %parallel_loop3A_13 {offsets = [11], sizes = [1], strides = [1]} : vector<16xi32> to vector<1xi32>
      %parallel_loop3A_257 = vector.extract %parallel_loop3A_256[0] : i32 from vector<1xi32>
      %parallel_loop3A_258 = arith.constant 32 : i32
      %parallel_loop3A_259 = arith.muli %parallel_loop3A_257, %parallel_loop3A_258 : i32
      %parallel_loop3A_260 = arith.constant 16 : i32
      %parallel_loop3A_261 = arith.muli %parallel_loop3A_9, %parallel_loop3A_260 : i32
      %parallel_loop3A_262 = arith.constant 11 : i32
      %parallel_loop3A_263 = arith.addi %parallel_loop3A_261, %parallel_loop3A_262 : i32
      %parallel_loop3A_264 = arith.constant 32 : i32
      %parallel_loop3A_265 = arith.muli %parallel_loop3A_263, %parallel_loop3A_264 : i32
      %parallel_loop3A_266 = arith.index_cast %parallel_loop3A_259 : i32 to index
      %parallel_loop3A_267 = tpu.vector_load %arg5[%parallel_loop3A_266] {strides = array<i32>} : memref<32768xf32, #tpu.memory_space<vmem>>, vector<16xf32>,
      %parallel_loop3A_268 = arith.index_cast %parallel_loop3A_265 : i32 to index
      %parallel_loop3A_269 = tpu.vector_load %arg7[%parallel_loop3A_268] {strides = array<i32>} : memref<32768xf32, #tpu.memory_space<vmem>>, vector<16xf32>,
      tpu.vector_store %arg7[%parallel_loop3A_268], %parallel_loop3A_267 {strides = array<i32>} : memref<32768xf32, #tpu.memory_space<vmem>>, vector<16xf32>,
      %parallel_loop3A_270 = arith.constant 16 : i32
      %parallel_loop3A_271 = arith.addi %parallel_loop3A_259, %parallel_loop3A_270 : i32
      %parallel_loop3A_272 = arith.index_cast %parallel_loop3A_271 : i32 to index
      %parallel_loop3A_273 = tpu.vector_load %arg5[%parallel_loop3A_272] {strides = array<i32>} : memref<32768xf32, #tpu.memory_space<vmem>>, vector<16xf32>,
      %parallel_loop3A_274 = arith.constant 16 : i32
      %parallel_loop3A_275 = arith.addi %parallel_loop3A_265, %parallel_loop3A_274 : i32
      %parallel_loop3A_276 = arith.index_cast %parallel_loop3A_275 : i32 to index
      %parallel_loop3A_277 = tpu.vector_load %arg7[%parallel_loop3A_276] {strides = array<i32>} : memref<32768xf32, #tpu.memory_space<vmem>>, vector<16xf32>,
      tpu.vector_store %arg7[%parallel_loop3A_276], %parallel_loop3A_273 {strides = array<i32>} : memref<32768xf32, #tpu.memory_space<vmem>>, vector<16xf32>,
      %parallel_loop3A_278 = vector.extract_strided_slice %parallel_loop3A_13 {offsets = [12], sizes = [1], strides = [1]} : vector<16xi32> to vector<1xi32>
      %parallel_loop3A_279 = vector.extract %parallel_loop3A_278[0] : i32 from vector<1xi32>
      %parallel_loop3A_280 = arith.constant 32 : i32
      %parallel_loop3A_281 = arith.muli %parallel_loop3A_279, %parallel_loop3A_280 : i32
      %parallel_loop3A_282 = arith.constant 16 : i32
      %parallel_loop3A_283 = arith.muli %parallel_loop3A_9, %parallel_loop3A_282 : i32
      %parallel_loop3A_284 = arith.constant 12 : i32
      %parallel_loop3A_285 = arith.addi %parallel_loop3A_283, %parallel_loop3A_284 : i32
      %parallel_loop3A_286 = arith.constant 32 : i32
      %parallel_loop3A_287 = arith.muli %parallel_loop3A_285, %parallel_loop3A_286 : i32
      %parallel_loop3A_288 = arith.index_cast %parallel_loop3A_281 : i32 to index
      %parallel_loop3A_289 = tpu.vector_load %arg5[%parallel_loop3A_288] {strides = array<i32>} : memref<32768xf32, #tpu.memory_space<vmem>>, vector<16xf32>,
      %parallel_loop3A_290 = arith.index_cast %parallel_loop3A_287 : i32 to index
      %parallel_loop3A_291 = tpu.vector_load %arg7[%parallel_loop3A_290] {strides = array<i32>} : memref<32768xf32, #tpu.memory_space<vmem>>, vector<16xf32>,
      tpu.vector_store %arg7[%parallel_loop3A_290], %parallel_loop3A_289 {strides = array<i32>} : memref<32768xf32, #tpu.memory_space<vmem>>, vector<16xf32>,
      %parallel_loop3A_292 = arith.constant 16 : i32
      %parallel_loop3A_293 = arith.addi %parallel_loop3A_281, %parallel_loop3A_292 : i32
      %parallel_loop3A_294 = arith.index_cast %parallel_loop3A_293 : i32 to index
      %parallel_loop3A_295 = tpu.vector_load %arg5[%parallel_loop3A_294] {strides = array<i32>} : memref<32768xf32, #tpu.memory_space<vmem>>, vector<16xf32>,
      %parallel_loop3A_296 = arith.constant 16 : i32
      %parallel_loop3A_297 = arith.addi %parallel_loop3A_287, %parallel_loop3A_296 : i32
      %parallel_loop3A_298 = arith.index_cast %parallel_loop3A_297 : i32 to index
      %parallel_loop3A_299 = tpu.vector_load %arg7[%parallel_loop3A_298] {strides = array<i32>} : memref<32768xf32, #tpu.memory_space<vmem>>, vector<16xf32>,
      tpu.vector_store %arg7[%parallel_loop3A_298], %parallel_loop3A_295 {strides = array<i32>} : memref<32768xf32, #tpu.memory_space<vmem>>, vector<16xf32>,
      %parallel_loop3A_300 = vector.extract_strided_slice %parallel_loop3A_13 {offsets = [13], sizes = [1], strides = [1]} : vector<16xi32> to vector<1xi32>
      %parallel_loop3A_301 = vector.extract %parallel_loop3A_300[0] : i32 from vector<1xi32>
      %parallel_loop3A_302 = arith.constant 32 : i32
      %parallel_loop3A_303 = arith.muli %parallel_loop3A_301, %parallel_loop3A_302 : i32
      %parallel_loop3A_304 = arith.constant 16 : i32
      %parallel_loop3A_305 = arith.muli %parallel_loop3A_9, %parallel_loop3A_304 : i32
      %parallel_loop3A_306 = arith.constant 13 : i32
      %parallel_loop3A_307 = arith.addi %parallel_loop3A_305, %parallel_loop3A_306 : i32
      %parallel_loop3A_308 = arith.constant 32 : i32
      %parallel_loop3A_309 = arith.muli %parallel_loop3A_307, %parallel_loop3A_308 : i32
      %parallel_loop3A_310 = arith.index_cast %parallel_loop3A_303 : i32 to index
      %parallel_loop3A_311 = tpu.vector_load %arg5[%parallel_loop3A_310] {strides = array<i32>} : memref<32768xf32, #tpu.memory_space<vmem>>, vector<16xf32>,
      %parallel_loop3A_312 = arith.index_cast %parallel_loop3A_309 : i32 to index
      %parallel_loop3A_313 = tpu.vector_load %arg7[%parallel_loop3A_312] {strides = array<i32>} : memref<32768xf32, #tpu.memory_space<vmem>>, vector<16xf32>,
      tpu.vector_store %arg7[%parallel_loop3A_312], %parallel_loop3A_311 {strides = array<i32>} : memref<32768xf32, #tpu.memory_space<vmem>>, vector<16xf32>,
      %parallel_loop3A_314 = arith.constant 16 : i32
      %parallel_loop3A_315 = arith.addi %parallel_loop3A_303, %parallel_loop3A_314 : i32
      %parallel_loop3A_316 = arith.index_cast %parallel_loop3A_315 : i32 to index
      %parallel_loop3A_317 = tpu.vector_load %arg5[%parallel_loop3A_316] {strides = array<i32>} : memref<32768xf32, #tpu.memory_space<vmem>>, vector<16xf32>,
      %parallel_loop3A_318 = arith.constant 16 : i32
      %parallel_loop3A_319 = arith.addi %parallel_loop3A_309, %parallel_loop3A_318 : i32
      %parallel_loop3A_320 = arith.index_cast %parallel_loop3A_319 : i32 to index
      %parallel_loop3A_321 = tpu.vector_load %arg7[%parallel_loop3A_320] {strides = array<i32>} : memref<32768xf32, #tpu.memory_space<vmem>>, vector<16xf32>,
      tpu.vector_store %arg7[%parallel_loop3A_320], %parallel_loop3A_317 {strides = array<i32>} : memref<32768xf32, #tpu.memory_space<vmem>>, vector<16xf32>,
      %parallel_loop3A_322 = vector.extract_strided_slice %parallel_loop3A_13 {offsets = [14], sizes = [1], strides = [1]} : vector<16xi32> to vector<1xi32>
      %parallel_loop3A_323 = vector.extract %parallel_loop3A_322[0] : i32 from vector<1xi32>
      %parallel_loop3A_324 = arith.constant 32 : i32
      %parallel_loop3A_325 = arith.muli %parallel_loop3A_323, %parallel_loop3A_324 : i32
      %parallel_loop3A_326 = arith.constant 16 : i32
      %parallel_loop3A_327 = arith.muli %parallel_loop3A_9, %parallel_loop3A_326 : i32
      %parallel_loop3A_328 = arith.constant 14 : i32
      %parallel_loop3A_329 = arith.addi %parallel_loop3A_327, %parallel_loop3A_328 : i32
      %parallel_loop3A_330 = arith.constant 32 : i32
      %parallel_loop3A_331 = arith.muli %parallel_loop3A_329, %parallel_loop3A_330 : i32
      %parallel_loop3A_332 = arith.index_cast %parallel_loop3A_325 : i32 to index
      %parallel_loop3A_333 = tpu.vector_load %arg5[%parallel_loop3A_332] {strides = array<i32>} : memref<32768xf32, #tpu.memory_space<vmem>>, vector<16xf32>,
      %parallel_loop3A_334 = arith.index_cast %parallel_loop3A_331 : i32 to index
      %parallel_loop3A_335 = tpu.vector_load %arg7[%parallel_loop3A_334] {strides = array<i32>} : memref<32768xf32, #tpu.memory_space<vmem>>, vector<16xf32>,
      tpu.vector_store %arg7[%parallel_loop3A_334], %parallel_loop3A_333 {strides = array<i32>} : memref<32768xf32, #tpu.memory_space<vmem>>, vector<16xf32>,
      %parallel_loop3A_336 = arith.constant 16 : i32
      %parallel_loop3A_337 = arith.addi %parallel_loop3A_325, %parallel_loop3A_336 : i32
      %parallel_loop3A_338 = arith.index_cast %parallel_loop3A_337 : i32 to index
      %parallel_loop3A_339 = tpu.vector_load %arg5[%parallel_loop3A_338] {strides = array<i32>} : memref<32768xf32, #tpu.memory_space<vmem>>, vector<16xf32>,
      %parallel_loop3A_340 = arith.constant 16 : i32
      %parallel_loop3A_341 = arith.addi %parallel_loop3A_331, %parallel_loop3A_340 : i32
      %parallel_loop3A_342 = arith.index_cast %parallel_loop3A_341 : i32 to index
      %parallel_loop3A_343 = tpu.vector_load %arg7[%parallel_loop3A_342] {strides = array<i32>} : memref<32768xf32, #tpu.memory_space<vmem>>, vector<16xf32>,
      tpu.vector_store %arg7[%parallel_loop3A_342], %parallel_loop3A_339 {strides = array<i32>} : memref<32768xf32, #tpu.memory_space<vmem>>, vector<16xf32>,
      %parallel_loop3A_344 = vector.extract_strided_slice %parallel_loop3A_13 {offsets = [15], sizes = [1], strides = [1]} : vector<16xi32> to vector<1xi32>
      %parallel_loop3A_345 = vector.extract %parallel_loop3A_344[0] : i32 from vector<1xi32>
      %parallel_loop3A_346 = arith.constant 32 : i32
      %parallel_loop3A_347 = arith.muli %parallel_loop3A_345, %parallel_loop3A_346 : i32
      %parallel_loop3A_348 = arith.constant 16 : i32
      %parallel_loop3A_349 = arith.muli %parallel_loop3A_9, %parallel_loop3A_348 : i32
      %parallel_loop3A_350 = arith.constant 15 : i32
      %parallel_loop3A_351 = arith.addi %parallel_loop3A_349, %parallel_loop3A_350 : i32
      %parallel_loop3A_352 = arith.constant 32 : i32
      %parallel_loop3A_353 = arith.muli %parallel_loop3A_351, %parallel_loop3A_352 : i32
      %parallel_loop3A_354 = arith.index_cast %parallel_loop3A_347 : i32 to index
      %parallel_loop3A_355 = tpu.vector_load %arg5[%parallel_loop3A_354] {strides = array<i32>} : memref<32768xf32, #tpu.memory_space<vmem>>, vector<16xf32>,
      %parallel_loop3A_356 = arith.index_cast %parallel_loop3A_353 : i32 to index
      %parallel_loop3A_357 = tpu.vector_load %arg7[%parallel_loop3A_356] {strides = array<i32>} : memref<32768xf32, #tpu.memory_space<vmem>>, vector<16xf32>,
      tpu.vector_store %arg7[%parallel_loop3A_356], %parallel_loop3A_355 {strides = array<i32>} : memref<32768xf32, #tpu.memory_space<vmem>>, vector<16xf32>,
      %parallel_loop3A_358 = arith.constant 16 : i32
      %parallel_loop3A_359 = arith.addi %parallel_loop3A_347, %parallel_loop3A_358 : i32
      %parallel_loop3A_360 = arith.index_cast %parallel_loop3A_359 : i32 to index
      %parallel_loop3A_361 = tpu.vector_load %arg5[%parallel_loop3A_360] {strides = array<i32>} : memref<32768xf32, #tpu.memory_space<vmem>>, vector<16xf32>,
      %parallel_loop3A_362 = arith.constant 16 : i32
      %parallel_loop3A_363 = arith.addi %parallel_loop3A_353, %parallel_loop3A_362 : i32
      %parallel_loop3A_364 = arith.index_cast %parallel_loop3A_363 : i32 to index
      %parallel_loop3A_365 = tpu.vector_load %arg7[%parallel_loop3A_364] {strides = array<i32>} : memref<32768xf32, #tpu.memory_space<vmem>>, vector<16xf32>,
      tpu.vector_store %arg7[%parallel_loop3A_364], %parallel_loop3A_361 {strides = array<i32>} : memref<32768xf32, #tpu.memory_space<vmem>>, vector<16xf32>,
    } {sc.loop_unroll_factor = 2 : i64, sc.parallel_access}
    %mul3A_5 = arith.constant 1024 : i32
    %mul3A_6 = arith.muli %add3A, %mul3A_5 : i32
    %mul3A_7 = arith.constant 32 : i32
    %mul3A_8 = arith.muli %mul3A_6, %mul3A_7 : i32
    "tpu.region"() ({
      %run_scoped3A = tpu.sem_alloc : memref<!tpu.dma_semaphore, #tpu.memory_space<semaphore_mem>>
      %dma_start3A = tpu.memref_slice %arg4[%mul3A_8] : memref<1048576xf32, #tpu.memory_space<hbm>> -> memref<32768xf32, #tpu.memory_space<hbm>>
      %dma_start3A_9 = tpu.memref_slice %arg4[%mul3A_8] : memref<1048576xf32, #tpu.memory_space<hbm>> -> memref<32768xf32, #tpu.memory_space<hbm>>
      tpu.enqueue_dma source(%arg7 : memref<32768xf32, #tpu.memory_space<vmem>>) target(%dma_start3A_9 : memref<32768xf32, #tpu.memory_space<hbm>>) target_semaphore(%run_scoped3A : memref<!tpu.dma_semaphore, #tpu.memory_space<semaphore_mem>>)
      %dma_wait3A = tpu.memref_slice %arg4[%mul3A_8] : memref<1048576xf32, #tpu.memory_space<hbm>> -> memref<32768xf32, #tpu.memory_space<hbm>>
      %dma_wait3A_10 = tpu.memref_slice %arg4[%mul3A_8] : memref<1048576xf32, #tpu.memory_space<hbm>> -> memref<32768xf32, #tpu.memory_space<hbm>>
      tpu.wait_dma2 semaphore(%run_scoped3A : memref<!tpu.dma_semaphore, #tpu.memory_space<semaphore_mem>>) src(%arg7 : memref<32768xf32, #tpu.memory_space<vmem>>) dst(%dma_wait3A_10 : memref<32768xf32, #tpu.memory_space<hbm>>)
      tpu.yield
    }) : () -> ()
    return
  }
}

module attributes {stable_mosaic.version = 14 : i64} {
  func.func @_argmin_body(%arg0: i32, %arg1: memref<512x32xf32, #tpu.memory_space<vmem>>, %arg2: memref<32x1024xf32, #tpu.memory_space<vmem>>, %arg3: memref<512xi32, #tpu.memory_space<vmem>>) attributes {dimension_semantics = [#tpu.dimension_semantics<arbitrary>], iteration_bounds = array<i64: 64>, scalar_prefetch = 0 : i64, scratch_operands = 0 : i64, tpu.core_type = #tpu.core_type<tc>, window_params = [{transform_indices = @transform_0, window_bounds = array<i64: 512, 32>}, {pipeline_mode = #tpu.pipeline_mode<synchronous>, transform_indices = @transform_1, window_bounds = array<i64: 32, 1024>}, {transform_indices = @transform_2, window_bounds = array<i64: 512>}]} {
    %get3A = arith.constant 0 : index
    %get3A_0 = arith.constant 0 : index
    %get3A_1 = vector.load %arg1[%get3A, %get3A_0] : memref<512x32xf32, #tpu.memory_space<vmem>>, vector<512x32xf32>
    %get3A_2 = arith.constant 0 : index
    %get3A_3 = arith.constant 0 : index
    %get3A_4 = vector.load %arg2[%get3A_2, %get3A_3] : memref<32x1024xf32, #tpu.memory_space<vmem>>, vector<32x1024xf32>
    %dot_general3A = arith.constant dense<0.000000e+00> : vector<512x1024xf32>
    %dot_general3A_5 = tpu.matmul %get3A_1, %get3A_4, %dot_general3A {dimension_numbers = #tpu.dot_dimension_numbers<[1], [0], [0], [1], [0, 0, 1, 1], [], []>, transpose_lhs_hint = false} : vector<512x32xf32>, vector<32x1024xf32>, vector<512x1024xf32> -> vector<512x1024xf32>
    %mul3A = arith.mulf %get3A_4, %get3A_4 : vector<32x1024xf32>
    %reduce_sum3A = arith.constant dense<0.000000e+00> : vector<1024xf32>
    %reduce_sum3A_6 = vector.multi_reduction <add>, %mul3A, %reduce_sum3A [0] : vector<32x1024xf32> to vector<1024xf32>
    %broadcast_in_dim3A = vector.shape_cast %reduce_sum3A_6 : vector<1024xf32> to vector<1x1024xf32>
    %mul3A_7 = arith.mulf %get3A_1, %get3A_1 : vector<512x32xf32>
    %reduce_sum3A_8 = arith.constant dense<0.000000e+00> : vector<512xf32>
    %reduce_sum3A_9 = vector.multi_reduction <add>, %mul3A_7, %reduce_sum3A_8 [1] : vector<512x32xf32> to vector<512xf32>
    %broadcast_in_dim3A_10 = vector.shape_cast %reduce_sum3A_9 : vector<512xf32> to vector<512x1xf32>
    %add3A = vector.broadcast %broadcast_in_dim3A_10 : vector<512x1xf32> to vector<512x1024xf32>
    %add3A_11 = vector.broadcast %broadcast_in_dim3A : vector<1x1024xf32> to vector<512x1024xf32>
    %add3A_12 = arith.addf %add3A, %add3A_11 : vector<512x1024xf32>
    %mul3A_13 = arith.constant 2.000000e+00 : f32
    %mul3A_14 = vector.broadcast %mul3A_13 : f32 to vector<512x1024xf32>
    %mul3A_15 = arith.mulf %mul3A_14, %dot_general3A_5 : vector<512x1024xf32>
    %sub3A = arith.subf %add3A_12, %mul3A_15 : vector<512x1024xf32>
    %argmin3A = tpu.reduce_index %sub3A {axis = 1 : i32, kind = #tpu.reduction_kind<arg_min>} : vector<512x1024xf32> -> vector<512xi32>
    %swap3A = arith.constant 0 : index
    %swap3A_16 = vector.load %arg3[%swap3A] : memref<512xi32, #tpu.memory_space<vmem>>, vector<512xi32>
    tpu.vector_store %arg3[%swap3A], %argmin3A {strides = array<i32>} : memref<512xi32, #tpu.memory_space<vmem>>, vector<512xi32>,
    return
  }
  func.func @transform_0(%arg0: i32) -> (i32, i32) {
    %c0_i32 = arith.constant 0 : i32
    %c0_i32_0 = arith.constant 0 : i32
    return %arg0, %c0_i32 : i32, i32
  }
  func.func @transform_1(%arg0: i32) -> (i32, i32) {
    %c0_i32 = arith.constant 0 : i32
    %c0_i32_0 = arith.constant 0 : i32
    %c0_i32_1 = arith.constant 0 : i32
    return %c0_i32, %c0_i32_0 : i32, i32
  }
  func.func @transform_2(%arg0: i32) -> i32 {
    %c0_i32 = arith.constant 0 : i32
    return %arg0 : i32
  }
}

</mosaic_0001>

<sc_bundles>
// kernel: kernel.4.cloned.1.call-start
scs
__scs_entry_jumppad:
0x0: {  	(pc) =	sbr.rel $0x88, $3  }
0x1: {  	(tag) =	ssettag $0x0;
	lr =	simm.s32 $0x1  }
0x2: {  	[smem:$0x3F9F] =	sst lr;
	_ =	strace $0xD0000000  }
0x3: {  	_ = 	snop  }
0x4: {  	_ = 	snop  }
0x5: {  	_ = 	snop  }
0x6: {  	_ = 	snop  }
0x7: {  	_ = 	snop  }
__scs_overlays_trampoline_lowered:
0x8: {  	[smem:$0x3FAE] =	sst s0  }
0x9: {  	[smem:$0x3FAF] =	sst s1  }
0xa: {  	[smem:$0x3FB0] =	sst s2  }
0xb: {  	[smem:$0x3FB1] =	sst s3  }
0xc: {  	[smem:$0x3FB2] =	sst s4  }
0xd: {  	[smem:$0x3FB3] =	sst s5  }
0xe: {  	[smem:$0x3FB4] =	sst s6  }
0xf: {  	[smem:$0x3FB5] =	sst s7  }
0x10: {  	[smem:$0x3FB6] =	sst s8  }
0x11: {  	[smem:$0x3FB7] =	sst s9;
	s0 =	simm.s32 @!p0 $0x0  }
0x12: {  	s1 =	sld [smem:$0x3F9D];
	s0 =	simm.s32 @p0 $0x1  }
0x13: {  	[smem:$0x3FB8] =	sst s0;
	s0 =	simm.s32 @!p1 $0x0  }
0x14: {  	s2 =	sld [smem:$0x3F9C];
	s0 =	simm.s32 @p1 $0x1  }
0x15: {  	[smem:$0x3FB9] =	sst s0;
	s0 =	simm.s32 @!p2 $0x0  }
0x16: {  	s3 =	sld [smem:$0x3FDB];
	s0 =	simm.s32 @p2 $0x1  }
0x17: {  	s4 =	simm.s32 $0x1BF5;
	[smem:$0x3FBB] =	sst s0  }
0x18: {  	s0 =	sld [smem:$0x3F9E];
	_ =	swait.ge [sflag:s4], $0x0  }
0x19: {  	s7 =	sld [smem:$0x3F9F]  }
0x1a: {  	s8 =	sadd.s32 $0xFFFFE003, lr  }
0x1b: {  	s9 =	sadd.s32 $0xFFFFFEF7, lr;
	s5 =	simm.s32 $0xFFFFFFFF;
	p2 =	slt.u32 s8, $0xFFFFF086  }
0x1c: {  	p1 =	slt.u32 s9, $0xF7A;
	s5 =	simm.s32 @!p2 $0x0  }
0x1d: {  	s5 =	simm.s32 @p1 $0x1;
	p0 =	seq.s32 s7, s2  }
0x1e: {  	s7 =	smul.u32 @!p0 $0xF7A, s2;
	p2 =	seq.s32 @!p0 s5, $0x0  }
0x1f: {  	s9 =	smul.u32 $0xF7A, s1;
	s8 =	simm.s32 @!p0 $0x1BF5;
	p2 =	por !p2, p0  }
0x20: {  	[sflag:s8] =	ssyncset.s32 @!p0 $0xFFFFF086;
	s6 =	sadd.s32 @!p0 s3, s7;
	s7 =	simm.s32 @!p0 $0x108  }
0x21: {  	s3 =	sadd.s32 s3, s9;
	s6 =	sadd.s32 @!p0 $0x88, s6;
	s7 =	simm.s32 @p2 $0x1082  }
0x22: {  	[simem:s7], [sflag:s8] =	dma.local @!p0 [hbm:s6], $0xF7A  }
0x23: {  	s9 =	sor.u32 $0xD0000000, s2;
	s6 =	simm.s32 $0x108;
	_ =	swait.ge @!p0 [sflag:s8], $0x0  }
0x24: {  	s3 =	sadd.s32 $0x88, s3;
	s6 =	simm.s32 @!p1 $0x1082;
	[sflag:s4] =	ssyncset.s32 $0xFFFFF086  }
0x25: {  	[simem:s6], [sflag:s4] =	dma.local [hbm:s3], $0xF7A  }
0x26: {  	[smem:$0x3F9F] =	sst s1;
	(tag) =	ssettag s2;
	_ =	strace s9  }
0x27: {  	s1 =	sld [smem:$0x3FAF]  }
0x28: {  	s2 =	sld [smem:$0x3FB0]  }
0x29: {  	s4 =	sld [smem:$0x3FB2]  }
0x2a: {  	p0 =	seq.s32 s5, $0x0;
	s5 =	sld [smem:$0x3FB3]  }
0x2b: {  	s6 =	sld [smem:$0x3FB4]  }
0x2c: {  	s7 =	sld [smem:$0x3FB5]  }
0x2d: {  	s3 =	simm.s32 $0x108;
	s8 =	sld [smem:$0x3FB6]  }
0x2e: {  	s3 =	simm.s32 @!p0 $0x1082;
	s9 =	sld [smem:$0x3FB7]  }
0x2f: {  	lr =	sadd.s32 s0, s3;
	s0 =	sld [smem:$0x3FAE]  }
0x30: {  	s3 =	sld [smem:$0x3FB1]  }
0x31: {  	[smem:$0x3FBA] =	sst s10  }
0x32: {  	s10 =	sld [smem:$0x3FB8];
	_ =	sdelay $0x3  }
0x33: {  	p0 =	seq.s32 s10, $0x1;
	s10 =	sld [smem:$0x3FBA];
	_ =	sdelay $0x3  }
0x34: {  	[smem:$0x3FBA] =	sst s10  }
0x35: {  	s10 =	sld [smem:$0x3FB9];
	_ =	sdelay $0x3  }
0x36: {  	p1 =	seq.s32 s10, $0x1;
	s10 =	sld [smem:$0x3FBA];
	_ =	sdelay $0x3  }
0x37: {  	[smem:$0x3FBA] =	sst s10  }
0x38: {  	s10 =	sld [smem:$0x3FBB]  }
0x39: {  	_ = 	snop;
	(pc) =	sbr.ind lr, $3  }
0x3a: {  	_ = 	snop  }
0x3b: {  	_ = 	snop  }
0x3c: {  	p2 =	seq.s32 s10, $0x1;
	s10 =	sld [smem:$0x3FBA]  }
0x3d: {  	_ =	shalt  }
0x3e: {  	_ =	shalt  }
0x3f: {  	_ =	shalt  }
0x40: {  	_ =	shalt  }
0x41: {  	_ =	shalt  }
0x42: {  	_ =	shalt  }
0x43: {  	_ =	shalt  }
0x44: {  	_ =	shalt  }
0x45: {  	_ =	shalt  }
0x46: {  	_ =	shalt  }
0x47: {  	_ =	shalt  }
0x48: {  	_ =	shalt  }
0x49: {  	_ =	shalt  }
0x4a: {  	_ =	shalt  }
0x4b: {  	_ =	shalt  }
0x4c: {  	_ =	shalt  }
0x4d: {  	_ =	shalt  }
0x4e: {  	_ =	shalt  }
0x4f: {  	_ =	shalt  }
0x50: {  	_ =	shalt  }
0x51: {  	_ =	shalt  }
0x52: {  	_ =	shalt  }
0x53: {  	_ =	shalt  }
0x54: {  	_ =	shalt  }
0x55: {  	_ =	shalt  }
0x56: {  	_ =	shalt  }
0x57: {  	_ =	shalt  }
0x58: {  	_ =	shalt  }
0x59: {  	_ =	shalt  }
0x5a: {  	_ =	shalt  }
0x5b: {  	_ =	shalt  }
0x5c: {  	_ =	shalt  }
0x5d: {  	_ =	shalt  }
0x5e: {  	_ =	shalt  }
0x5f: {  	_ =	shalt  }
0x60: {  	_ =	shalt  }
0x61: {  	_ =	shalt  }
0x62: {  	_ =	shalt  }
0x63: {  	_ =	shalt  }
0x64: {  	_ =	shalt  }
0x65: {  	_ =	shalt  }
0x66: {  	_ =	shalt  }
0x67: {  	_ =	shalt  }
0x68: {  	_ =	shalt  }
0x69: {  	_ =	shalt  }
0x6a: {  	_ =	shalt  }
0x6b: {  	_ =	shalt  }
0x6c: {  	_ =	shalt  }
0x6d: {  	_ =	shalt  }
0x6e: {  	_ =	shalt  }
0x6f: {  	_ =	shalt  }
0x70: {  	_ =	shalt  }
0x71: {  	_ =	shalt  }
0x72: {  	_ =	shalt  }
0x73: {  	_ =	shalt  }
0x74: {  	_ =	shalt  }
0x75: {  	_ =	shalt  }
0x76: {  	_ =	shalt  }
0x77: {  	_ =	shalt  }
0x78: {  	_ =	shalt  }
0x79: {  	_ =	shalt  }
0x7a: {  	_ =	shalt  }
0x7b: {  	_ =	shalt  }
0x7c: {  	_ =	shalt  }
0x7d: {  	_ =	shalt  }
0x7e: {  	_ =	shalt  }
0x7f: {  	_ =	shalt  }
0x80: {  	_ =	shalt  }
0x81: {  	_ =	shalt  }
0x82: {  	_ =	shalt  }
0x83: {  	_ =	shalt  }
0x84: {  	_ =	shalt  }
0x85: {  	_ =	shalt  }
0x86: {  	_ =	shalt  }
0x87: {  	_ =	shalt  }
.Lfunc_end0:
.L_simem_size_0:
called_computation_lowered:
.L_overlay_start_0:
0x88: {  	s2 =	sld [smem:$0x3FD9]  }
0x89: {  	s3 =	sld [smem:$0x3FFE];
	_ =	sdelay $0x1  }
0x8a: {  	s1 =	srdreg.scid  }
0x8b: {  	s0 =	sand.u32 $0x1, s1  }
0x8c: {  	s17 =	sshll.u32 s0, $0xA;
	s2 =	sadd.s32 s3, s2  }
0x8d: {  	s2 =	sadd.s32 s2, s17  }
0x8e: {  	[smem:$0x3FC6] =	sst s2  }
0x8f: {  	_ = 	snop  }
0x90: {  	s2 =	sld [smem:$0x3FD0];
	(tm) =	ssettm $0x1  }
0x91: {  	s18 =	sld [smem:$0x3FFB];
	_ =	sdelay $0x3  }
0x92: {  	_ =	strace s18  }
0x93: {  	s3 =	sld [smem:$0x3FFC];
	_ =	sdelay $0x3  }
0x94: {  	_ =	strace s3  }
0x95: {  	s3 =	sld [smem:$0x3FFD];
	_ =	sdelay $0x3  }
0x96: {  	_ =	strace s3  }
0x97: {  	_ =	strace $0x8FFFFFFF  }
0x98: {  	s19 =	sld [smem:$0x3FDB];
	_ =	sdelay $0x1  }
0x99: {  	s4 =	simm.s32 $_scs_section_size  }
0x9a: {  	s5 =	simm.s32 $_size__tile_overlayer_lowered;
	s6 =	simm.s32 $_tile_overlayer_lowered  }
0x9b: {  	s22 =	simm.s32 $0x1BFF;
	s21 =	sshll.u32 s6, $0x1;
	s3 =	sadd.s32 s4, s19  }
0x9c: {  	s7 =	simm.s32 $0x0;
	s20 =	sshll.u32 s5, $0x1;
	s5 =	sadd.s32 s21, s3  }
0x9d: {  	[timem:s7], [sflag:s22] =	dma.local [hbm:s5], s20  }
0x9e: {  	_ =	swait.ge [sflag:s22], s20  }
0x9f: {  	s4 =	ssub.s32 $0x0, s20;
	[sflag:s22] =	ssyncset.done $0x0  }
0xa0: {  	[sflag:s22] =	ssyncadd.s32 s4;
	_ =	sdelay $0x1  }
0xa1: {  	s23 =	simm.s32 $0x1B8B  }
0xa2: {  	_ =	swait.ge [sflag:s23], $0x1  }
0xa3: {  	[sflag:s23] =	ssyncset.done $0x0  }
0xa4: {  	s25 =	simm.s32 $0x1B8E;
	s24 =	sld [smem:$0x3FFE];
	[sflag:s23] =	ssyncadd.s32 $0xFFFFFFFF  }
0xa5: {  	s26 =	simm.s32 $execute0_lowered;
	[smem:$0x3FD2] =	sst s25  }
0xa6: {  	s5 =	sshll.u32 s26, $0x1;
	_ =	strace $0x80000046;
	[dreg:$0x1] =	wrdreg $0xFFFFFFFF  }
0xa7: {  	s28 =	simm.s32 $_size_execute0_lowered;
	s3 =	sadd.s32 s3, s5;
	[dreg:$0x0] =	wrdreg $0x0  }
0xa8: {  	s5 =	sshll.u32 s28, $0x1;
	[dreg:$0x2] =	wrdreg s3  }
0xa9: {  	[dreg:$0x3] =	wrdreg s5  }
0xaa: {  	[dreg:$0x4] =	wrdreg $0xC0  }
0xab: {  	_ =	task [dreg:s7], $0x5FFFF  }
0xac: {  	[dreg:$0x1] =	wrdreg $0xFFFFFFFF  }
0xad: {  	[dreg:$0x0] =	wrdreg $0x60  }
0xae: {  	[dreg:$0x2] =	wrdreg s2  }
0xaf: {  	[dreg:$0x3] =	wrdreg s24  }
0xb0: {  	[dreg:$0x4] =	wrdreg $0x9  }
0xb1: {  	_ =	task.clear_ibuf [dreg:s7], $0x5FFFF;
	_ =	strace $0x90000046  }
0xb2: {  	s29 =	simm.s32 $0x9;
	_ =	strace $0x80000048  }
0xb3: {  	_ =	swait.ge [sflag:s29], $0x1  }
0xb4: {  	[sflag:s29] =	ssyncadd.s32 $0xFFFFFFFF  }
0xb5: {  	_ =	strace $0x90000048  }
0xb6: {  	_ =	sfence  }
0xb7: {  	s30 =	sld [smem:$0x0];
	_ =	sdelay $0x2  }
0xb8: {  	s31 =	sshll.u32 s1, $0xD;
	s1 =	sshrl.u32 s1, $0x2  }
0xb9: {  	s3 =	sand.u32 $0x4000, s31;
	s1 =	sadd.s32 s1, s30  }
0xba: {  	s0 =	sor.u32 s3, s0;
	s1 =	sshll.u32 s1, $0x11  }
0xbb: {  	s0 =	sor.u32 s1, s0  }
0xbc: {  	s0 =	sadd.s32 $0x8F2B, s0  }
0xbd: {  	[sflag:s0] =	ssyncadd.remote.s32 $0x1  }
0xbe: {  	_ =	sfence.sel $0xFFFF  }
0xbf: {  	[dreg:$0x0] =	wrdreg $0xFFFFFFFF;
	(pc) =	sbr.abs _section_cstart, $3  }
0xc0: {  	[dreg:$0x1] =	wrdreg $0xFFFFFFFF  }
0xc1: {  	_ =	task.clear_ibuf [dreg:s7], $0x2FFFF;
	_ =	strace $0x9FFFFFFF  }
0xc2: {  	(tm) =	ssettm $0x7FFFFFFF  }
0xc3: {  	_ =	shalt  }
tec
execute0_lowered:
.L_overlay_start_1:
0x0: {  	(tag) =	ssettag $0x1  }
0x1: {  	s1 =	srdreg.scid;
	s2 =	stileid.u32  }
0x2: {  	s5 =	simm.s32 $0x0;
	s1 =	sand.u32 $0x1, s1;
	s2 =	sshll.u32 s2, $0x1  }
0x3: {  	[smem:$0x7FF] =	sst s5;
	s2 =	sor.u32 s1, s2  }
0x4: {  	s0 =	rddreg [dreg:$0x1];
	_ =	strace $0x80000047;
	s3 =	sshll.u32 s2, $0x7  }
0x5: {  	s1 =	ssub.s32 $0x2, s1;
	s2 =	sshll.u32 s2, $0xC;
	s3 =	sadd.s32 s3, s0  }
0x6: {  	s4 =	sshrl.u32 s1, $0x1;
	s0 =	sadd.s32 s2, s0;
	s30 =	sadd.s32 $0xA00, s3  }
0x7: {  	s1 =	ssub.s32 s1, s4;
	s0 =	sadd.s32 $0x1A00, s0;
	[dreg:$0x9] =	wrdreg s30  }
0x8: {  	s31 =	smax.u32 s1, $0x1;
	[dreg:$0xa] =	wrdreg s0  }
0x9: {  	s2 =	simm.s32 $0x0;
	s1 =	simm.s32 $0x1;
	[dreg:$0xb] =	wrdreg s31  }
.LBB2_1:
0xa: {  	[dreg:$0xc] =	wrdreg s2  }
0xb: {  	s0 =	rddreg [dreg:$0x0]  }
0xc: {  	[tilespmem:s5], [sflag:$0x1] =	stream.linear.gather [hbm4b:s0+s5], $0x8000, $0x38;
	[tilespmem:$0x10400] =	vst v63  }
0xd: {  	_ =	swait.ge [sflag:s1], $0x8000  }
0xe: {  	[sflag:s1] =	ssyncset.done $0x0  }
0xf: {  	s21 =	simm.s32 $0x8000;
	s20 =	rddreg [dreg:$0x9];
	[sflag:s1] =	ssyncadd.s32 $0xFFFF8000  }
0x10: {  	[tilespmem:s21], [sflag:$0x1] =	stream.linear.gather [hbm4b:s20+s5], $0x400, $0x38;
	[tilespmem:$0x10400] =	vst v63  }
0x11: {  	_ =	swait.ge [sflag:s1], $0x400  }
0x12: {  	[sflag:s1] =	ssyncset.done $0x0  }
0x13: {  	s22 =	simm.s32 $0x8010;
	[sflag:s1] =	ssyncadd.s32 $0xFFFFFC00  }
0x14: {  	v0 =	vld [tilespmem:s22+$0x0];
	_ =	sdelay $0x3  }
0x15: {  	v2 =	vld [tilespmem:s22+$0xFFFFFFF0]  }
0x16: {  	v0 =	vshll.u32 v0, $0x7  }
0x17: {  	v1 =	vshra.s32 v0, $0x2  }
0x18: {  	(v2sf) =	vpush v1, $0x0;
	_ =	sdelay $0x1  }
0x19: {  	v0 =	vshll.u32 v2, $0x7  }
0x1a: {  	v0 =	vshra.s32 v0, $0x2  }
0x1b: {  	(v2sf) =	vpush v0, $0x0  }
0x1c: {  	(v2sf) =	vpush v0, $0x1  }
0x1d: {  	(v2sf) =	vpush v0, $0x2  }
0x1e: {  	(v2sf) =	vpush v0, $0x3  }
0x1f: {  	(v2sf) =	vpush v0, $0x4  }
0x20: {  	(v2sf) =	vpush v0, $0x5  }
0x21: {  	(v2sf) =	vpush v0, $0x6  }
0x22: {  	(v2sf) =	vpush v0, $0x7  }
0x23: {  	(v2sf) =	vpush v1, $0x1;
	_ =	sdelay $0x2  }
0x24: {  	s23 =	spop (v2sf)  }
0x25: {  	(v2sf) =	vpush v0, $0x8;
	v2 =	vld [tilespmem:s23+$0x0]  }
0x26: {  	(v2sf) =	vpush v0, $0x9  }
0x27: {  	(v2sf) =	vpush v0, $0xA  }
0x28: {  	s24 =	spop (v2sf);
	(v2sf) =	vpush v0, $0xB  }
0x29: {  	s12 =	simm.s32 $0x8600;
	s25 =	spop (v2sf);
	(v2sf) =	vpush v0, $0xC  }
0x2a: {  	s8 =	spop (v2sf);
	(v2sf) =	vpush v0, $0xD;
	[tilespmem:s12+$0x0] =	vst v2  }
0x2b: {  	s3 =	spop (v2sf);
	(v2sf) =	vpush v0, $0xE;
	v2 =	vld [tilespmem:s23+$0x10]  }
0x2c: {  	s26 =	spop (v2sf);
	(v2sf) =	vpush v0, $0xF  }
0x2d: {  	v3 =	vld [tilespmem:s24+$0x0];
	s28 =	spop (v2sf);
	(v2sf) =	vpush v1, $0x2  }
0x2e: {  	s20 =	spop (v2sf)  }
0x2f: {  	s18 =	spop (v2sf)  }
0x30: {  	s13 =	spop (v2sf);
	[tilespmem:s12+$0x10] =	vst v2  }
0x31: {  	v2 =	vld [tilespmem:s13+$0x0]  }
0x32: {  	[tilespmem:s12+$0xFFFFFE00] =	vst v3  }
0x33: {  	v0 =	vld [tilespmem:s24+$0x10]  }
0x34: {  	s16 =	spop (v2sf)  }
0x35: {  	s10 =	spop (v2sf)  }
0x36: {  	s7 =	spop (v2sf);
	[tilespmem:s12+$0x20] =	vst v2  }
0x37: {  	s6 =	spop (v2sf);
	v2 =	vld [tilespmem:s13+$0x10]  }
0x38: {  	[tilespmem:s12+$0xFFFFFE10] =	vst v0;
	s4 =	spop (v2sf)  }
0x39: {  	v0 =	vld [tilespmem:s25+$0x0];
	(v2sf) =	vpush v1, $0x3;
	s9 =	spop (v2sf)  }
0x3a: {  	s2 =	spop (v2sf)  }
0x3b: {  	s23 =	spop (v2sf)  }
0x3c: {  	s14 =	spop (v2sf);
	[tilespmem:s12+$0x30] =	vst v2  }
0x3d: {  	v2 =	vld [tilespmem:s14+$0x0]  }
0x3e: {  	[tilespmem:s12+$0xFFFFFE20] =	vst v0  }
0x3f: {  	v0 =	vld [tilespmem:s25+$0x10];
	_ =	sdelay $0x2  }
0x40: {  	[tilespmem:s12+$0x40] =	vst v2  }
0x41: {  	v2 =	vld [tilespmem:s14+$0x10]  }
0x42: {  	[tilespmem:s12+$0xFFFFFE30] =	vst v0  }
0x43: {  	(v2sf) =	vpush v1, $0x4;
	v0 =	vld [tilespmem:s8+$0x0];
	_ =	sdelay $0x1  }
0x44: {  	s17 =	simm.s32 $0x8030  }
0x45: {  	v3 =	vld [tilespmem:s17+$0x0];
	s15 =	spop (v2sf);
	[tilespmem:s12+$0x50] =	vst v2  }
0x46: {  	v2 =	vld [tilespmem:s15+$0x0]  }
0x47: {  	v4 =	vld [tilespmem:s17+$0xFFFFFFF0];
	[tilespmem:s12+$0xFFFFFE40] =	vst v0  }
0x48: {  	v0 =	vld [tilespmem:s8+$0x10];
	_ =	sdelay $0x2  }
0x49: {  	[tilespmem:s12+$0x60] =	vst v2;
	v2 =	vshll.u32 v3, $0x7  }
0x4a: {  	v5 =	vld [tilespmem:s15+$0x10];
	(v2sf) =	vpush v1, $0x5;
	v2 =	vshra.s32 v2, $0x2  }
0x4b: {  	[tilespmem:s12+$0xFFFFFE50] =	vst v0;
	v0 =	vshll.u32 v4, $0x7;
	(v2sf) =	vpush v2, $0x0  }
0x4c: {  	v3 =	vld [tilespmem:s3+$0x0];
	v0 =	vshra.s32 v0, $0x2  }
0x4d: {  	(v2sf) =	vpush v0, $0x0;
	_ =	sdelay $0x1  }
0x4e: {  	s5 =	spop (v2sf);
	(v2sf) =	vpush v0, $0x1;
	[tilespmem:s12+$0x70] =	vst v5  }
0x4f: {  	(v2sf) =	vpush v0, $0x2;
	v4 =	vld [tilespmem:s5+$0x0]  }
0x50: {  	(v2sf) =	vpush v0, $0x3;
	[tilespmem:s12+$0xFFFFFE60] =	vst v3  }
0x51: {  	(v2sf) =	vpush v1, $0x6;
	v3 =	vld [tilespmem:s3+$0x10]  }
0x52: {  	(v2sf) =	vpush v0, $0x4  }
0x53: {  	(v2sf) =	vpush v0, $0x5  }
0x54: {  	(v2sf) =	vpush v0, $0x6;
	[tilespmem:s12+$0x80] =	vst v4  }
0x55: {  	(v2sf) =	vpush v0, $0x7;
	v4 =	vld [tilespmem:s5+$0x10]  }
0x56: {  	(v2sf) =	vpush v2, $0x1;
	[tilespmem:s12+$0xFFFFFE70] =	vst v3  }
0x57: {  	v3 =	vld [tilespmem:s26+$0x0]  }
0x58: {  	s19 =	spop (v2sf)  }
0x59: {  	(v2sf) =	vpush v0, $0x8;
	s21 =	spop (v2sf)  }
0x5a: {  	(v2sf) =	vpush v0, $0x9;
	[tilespmem:s12+$0x90] =	vst v4;
	v5 =	vld [tilespmem:s21+$0x0]  }
0x5b: {  	(v2sf) =	vpush v0, $0xA;
	s24 =	spop (v2sf);
	v4 =	vld [tilespmem:s19+$0x0]  }
0x5c: {  	(v2sf) =	vpush v0, $0xB;
	[tilespmem:s12+$0xFFFFFE80] =	vst v3;
	v3 =	vld [tilespmem:s24+$0x0]  }
0x5d: {  	(v2sf) =	vpush v0, $0xC;
	s14 =	spop (v2sf);
	v6 =	vld [tilespmem:s26+$0x10]  }
0x5e: {  	s13 =	simm.s32 $0x8A00;
	(v2sf) =	vpush v1, $0x7;
	s11 =	spop (v2sf)  }
0x5f: {  	(v2sf) =	vpush v0, $0xD;
	s22 =	spop (v2sf);
	[tilespmem:s13+$0x0] =	vst v5  }
0x60: {  	s25 =	spop (v2sf);
	[tilespmem:s12+$0xA0] =	vst v4;
	v5 =	vld [tilespmem:s21+$0x10]  }
0x61: {  	(v2sf) =	vpush v0, $0xE;
	s21 =	spop (v2sf);
	[tilespmem:s13+$0xFFFFFE00] =	vst v3;
	v4 =	vld [tilespmem:s19+$0x10]  }
0x62: {  	(v2sf) =	vpush v0, $0xF;
	[tilespmem:s12+$0xFFFFFE90] =	vst v6;
	s19 =	spop (v2sf);
	v0 =	vld [tilespmem:s24+$0x10]  }
0x63: {  	v3 =	vld [tilespmem:s28+$0x0];
	s17 =	spop (v2sf)  }
0x64: {  	s26 =	spop (v2sf)  }
0x65: {  	s15 =	spop (v2sf);
	[tilespmem:s13+$0x10] =	vst v5  }
0x66: {  	(v2sf) =	vpush v2, $0x2;
	[tilespmem:s12+$0xB0] =	vst v4;
	v5 =	vld [tilespmem:s15+$0x0]  }
0x67: {  	[tilespmem:s13+$0xFFFFFE10] =	vst v0;
	v4 =	vld [tilespmem:s25+$0x0]  }
0x68: {  	s24 =	spop (v2sf);
	[tilespmem:s12+$0xFFFFFEA0] =	vst v3;
	v0 =	vld [tilespmem:s14+$0x0]  }
0x69: {  	s3 =	spop (v2sf);
	v3 =	vld [tilespmem:s28+$0x10]  }
0x6a: {  	s5 =	spop (v2sf)  }
0x6b: {  	s8 =	spop (v2sf);
	[tilespmem:s13+$0x20] =	vst v5  }
0x6c: {  	s1 =	spop (v2sf);
	[tilespmem:s12+$0xC0] =	vst v4;
	v5 =	vld [tilespmem:s15+$0x10]  }
0x6d: {  	s15 =	smov.u32 s23;
	s23 =	spop (v2sf);
	[tilespmem:s13+$0xFFFFFE20] =	vst v0;
	v4 =	vld [tilespmem:s25+$0x10]  }
0x6e: {  	[tilespmem:s12+$0xFFFFFEB0] =	vst v3;
	s28 =	spop (v2sf)  }
0x6f: {  	[dreg:$0xd] =	wrdreg s28  }
0x70: {  	(v2sf) =	vpush v1, $0x8;
	s25 =	spop (v2sf);
	v0 =	vld [tilespmem:s14+$0x10]  }
0x71: {  	v3 =	vld [tilespmem:s20+$0x0];
	[dreg:$0x4] =	wrdreg s25  }
0x72: {  	(v2sf) =	vpush v2, $0x3;
	s28 =	spop (v2sf);
	[tilespmem:s12+$0xD0] =	vst v4  }
0x73: {  	[dreg:$0x3] =	wrdreg s28  }
0x74: {  	v4 =	vld [tilespmem:s23+$0x0]  }
0x75: {  	s0 =	spop (v2sf);
	[tilespmem:s13+$0x30] =	vst v5  }
0x76: {  	[tilespmem:s13+$0xFFFFFE30] =	vst v0;
	v5 =	vld [tilespmem:s0+$0x0]  }
0x77: {  	[tilespmem:s12+$0xFFFFFEC0] =	vst v3;
	v0 =	vld [tilespmem:s11+$0x0]  }
0x78: {  	v3 =	vld [tilespmem:s20+$0x10]  }
0x79: {  	[tilespmem:s12+$0xE0] =	vst v4  }
0x7a: {  	v4 =	vld [tilespmem:s23+$0x10]  }
0x7b: {  	[tilespmem:s13+$0x40] =	vst v5  }
0x7c: {  	(v2sf) =	vpush v1, $0x9;
	[tilespmem:s13+$0xFFFFFE40] =	vst v0;
	v5 =	vld [tilespmem:s0+$0x10]  }
0x7d: {  	[tilespmem:s12+$0xFFFFFED0] =	vst v3;
	v0 =	vld [tilespmem:s11+$0x10]  }
0x7e: {  	(v2sf) =	vpush v2, $0x4;
	v3 =	vld [tilespmem:s18+$0x0]  }
0x7f: {  	s25 =	spop (v2sf);
	[tilespmem:s12+$0xF0] =	vst v4  }
0x80: {  	v4 =	vld [tilespmem:s25+$0x0]  }
0x81: {  	s28 =	spop (v2sf);
	[tilespmem:s13+$0x50] =	vst v5  }
0x82: {  	[tilespmem:s13+$0xFFFFFE50] =	vst v0;
	v5 =	vld [tilespmem:s28+$0x0]  }
0x83: {  	[tilespmem:s12+$0xFFFFFEE0] =	vst v3;
	v0 =	vld [tilespmem:s22+$0x0]  }
0x84: {  	s0 =	simm.s32 $0x8050;
	v3 =	vld [tilespmem:s18+$0x10]  }
0x85: {  	[tilespmem:s12+$0x100] =	vst v4;
	v4 =	vld [tilespmem:s0+$0x0]  }
0x86: {  	v6 =	vld [tilespmem:s25+$0x10]  }
0x87: {  	v7 =	vld [tilespmem:s0+$0xFFFFFFF0];
	[tilespmem:s13+$0x60] =	vst v5  }
0x88: {  	(v2sf) =	vpush v1, $0xA;
	[tilespmem:s13+$0xFFFFFE60] =	vst v0;
	v5 =	vld [tilespmem:s28+$0x10]  }
0x89: {  	[tilespmem:s12+$0xFFFFFEF0] =	vst v3;
	v8 =	vld [tilespmem:s22+$0x10]  }
0x8a: {  	(v2sf) =	vpush v2, $0x5;
	v3 =	vld [tilespmem:s16+$0x0]  }
0x8b: {  	s14 =	spop (v2sf);
	v0 =	vshll.u32 v4, $0x7;
	[tilespmem:s12+$0x110] =	vst v6  }
0x8c: {  	v0 =	vshra.s32 v0, $0x2;
	v4 =	vld [tilespmem:s14+$0x0]  }
0x8d: {  	s18 =	spop (v2sf);
	v6 =	vshll.u32 v7, $0x7;
	[tilespmem:s13+$0x70] =	vst v5;
	(v2sf) =	vpush v0, $0x0  }
0x8e: {  	v6 =	vshra.s32 v6, $0x2;
	[tilespmem:s13+$0xFFFFFE70] =	vst v8;
	v5 =	vld [tilespmem:s18+$0x0];
	(v2sf) =	vpush v1, $0xB  }
0x8f: {  	[tilespmem:s12+$0xFFFFFF00] =	vst v3;
	v7 =	vld [tilespmem:s21+$0x0];
	(v2sf) =	vpush v6, $0x0  }
0x90: {  	v3 =	vld [tilespmem:s16+$0x10]  }
0x91: {  	(v2sf) =	vpush v6, $0x1;
	[tilespmem:s12+$0x120] =	vst v4  }
0x92: {  	(v2sf) =	vpush v6, $0x2;
	v4 =	vld [tilespmem:s14+$0x10]  }
0x93: {  	(v2sf) =	vpush v6, $0x3;
	[tilespmem:s13+$0x80] =	vst v5  }
0x94: {  	(v2sf) =	vpush v2, $0x6;
	[tilespmem:s13+$0xFFFFFE80] =	vst v7;
	v5 =	vld [tilespmem:s18+$0x10]  }
0x95: {  	[tilespmem:s12+$0xFFFFFF10] =	vst v3;
	(v2sf) =	vpush v6, $0x4;
	v7 =	vld [tilespmem:s21+$0x10]  }
0x96: {  	v3 =	vld [tilespmem:s10+$0x0];
	(v2sf) =	vpush v6, $0x5  }
0x97: {  	s20 =	spop (v2sf);
	(v2sf) =	vpush v6, $0x6;
	[tilespmem:s12+$0x130] =	vst v4  }
0x98: {  	(v2sf) =	vpush v6, $0x7;
	v4 =	vld [tilespmem:s20+$0x0]  }
0x99: {  	s21 =	spop (v2sf);
	(v2sf) =	vpush v0, $0x1;
	[tilespmem:s13+$0x90] =	vst v5  }
0x9a: {  	(v2sf) =	vpush v6, $0x8;
	[tilespmem:s13+$0xFFFFFE90] =	vst v7;
	v5 =	vld [tilespmem:s21+$0x0]  }
0x9b: {  	[tilespmem:s12+$0xFFFFFF20] =	vst v3;
	v7 =	vld [tilespmem:s19+$0x0];
	(v2sf) =	vpush v1, $0xC  }
0x9c: {  	v8 =	vld [tilespmem:s10+$0x10];
	(v2sf) =	vpush v6, $0x9;
	s22 =	spop (v2sf)  }
0x9d: {  	(v2sf) =	vpush v6, $0xA;
	v3 =	vld [tilespmem:s22+$0x0];
	s23 =	spop (v2sf);
	[tilespmem:s12+$0x140] =	vst v4  }
0x9e: {  	s0 =	spop (v2sf);
	v4 =	vld [tilespmem:s20+$0x10]  }
0x9f: {  	(v2sf) =	vpush v6, $0xB;
	[tilespmem:s13+$0xA0] =	vst v5;
	v9 =	vld [tilespmem:s0+$0x0]  }
0xa0: {  	(v2sf) =	vpush v6, $0xC;
	s11 =	spop (v2sf);
	[tilespmem:s13+$0xFFFFFEA0] =	vst v7;
	v5 =	vld [tilespmem:s21+$0x10]  }
0xa1: {  	s16 =	simm.s32 $0x8E00;
	[tilespmem:s12+$0xFFFFFF30] =	vst v8;
	s31 =	spop (v2sf);
	v7 =	vld [tilespmem:s19+$0x10]  }
0xa2: {  	(v2sf) =	vpush v2, $0x7;
	v8 =	vld [tilespmem:s7+$0x0];
	s30 =	spop (v2sf);
	[tilespmem:s16+$0x0] =	vst v3  }
0xa3: {  	(v2sf) =	vpush v6, $0xD;
	s21 =	spop (v2sf);
	v3 =	vld [tilespmem:s22+$0x10];
	[tilespmem:s12+$0x150] =	vst v4  }
0xa4: {  	(v2sf) =	vpush v6, $0xE;
	s29 =	spop (v2sf);
	[tilespmem:s16+$0xFFFFFE00] =	vst v9;
	v4 =	vld [tilespmem:s23+$0x0]  }
0xa5: {  	(v2sf) =	vpush v6, $0xF;
	s28 =	spop (v2sf);
	[tilespmem:s13+$0xB0] =	vst v5;
	v6 =	vld [tilespmem:s0+$0x10]  }
0xa6: {  	(v2sf) =	vpush v0, $0x2;
	s25 =	spop (v2sf);
	[tilespmem:s13+$0xFFFFFEB0] =	vst v7;
	v5 =	vld [tilespmem:s21+$0x0]  }
0xa7: {  	[tilespmem:s12+$0xFFFFFF40] =	vst v8;
	s10 =	spop (v2sf);
	v7 =	vld [tilespmem:s17+$0x0]  }
0xa8: {  	v8 =	vld [tilespmem:s7+$0x10];
	s22 =	spop (v2sf);
	[tilespmem:s16+$0x10] =	vst v3  }
0xa9: {  	s7 =	spop (v2sf);
	v3 =	vld [tilespmem:s22+$0x0];
	[tilespmem:s12+$0x160] =	vst v4  }
0xaa: {  	s0 =	spop (v2sf);
	[tilespmem:s16+$0xFFFFFE10] =	vst v6  }
0xab: {  	s19 =	spop (v2sf);
	v4 =	vld [tilespmem:s23+$0x10];
	[tilespmem:s13+$0xC0] =	vst v5  }
0xac: {  	[tilespmem:s13+$0xFFFFFEC0] =	vst v7;
	v5 =	vld [tilespmem:s21+$0x10];
	s21 =	spop (v2sf)  }
0xad: {  	v6 =	vld [tilespmem:s11+$0x0];
	[dreg:$0x6] =	wrdreg s21  }
0xae: {  	s23 =	spop (v2sf);
	v7 =	vld [tilespmem:s17+$0x10];
	[tilespmem:s16+$0x20] =	vst v3  }
0xaf: {  	[tilespmem:s12+$0xFFFFFF50] =	vst v8;
	v3 =	vld [tilespmem:s22+$0x10];
	s22 =	spop (v2sf)  }
0xb0: {  	[dreg:$0x5] =	wrdreg s22  }
0xb1: {  	(v2sf) =	vpush v1, $0xD;
	s17 =	spop (v2sf);
	v8 =	vld [tilespmem:s6+$0x0];
	[tilespmem:s12+$0x170] =	vst v4  }
0xb2: {  	(v2sf) =	vpush v2, $0x8;
	[tilespmem:s13+$0xD0] =	vst v5;
	s20 =	spop (v2sf);
	v4 =	vld [tilespmem:s0+$0x0]  }
0xb3: {  	[tilespmem:s16+$0xFFFFFE20] =	vst v6;
	v5 =	vld [tilespmem:s17+$0x0];
	s18 =	spop (v2sf)  }
0xb4: {  	(v2sf) =	vpush v0, $0x3;
	v6 =	vld [tilespmem:s11+$0x10];
	[tilespmem:s13+$0xFFFFFED0] =	vst v7;
	s22 =	spop (v2sf)  }
0xb5: {  	v7 =	vld [tilespmem:s26+$0x0];
	[tilespmem:s16+$0x30] =	vst v3;
	s21 =	spop (v2sf)  }
0xb6: {  	v3 =	vld [tilespmem:s21+$0x0];
	[tilespmem:s12+$0xFFFFFF60] =	vst v8  }
0xb7: {  	v8 =	vld [tilespmem:s6+$0x10];
	[tilespmem:s12+$0x180] =	vst v4  }
0xb8: {  	(v2sf) =	vpush v1, $0xE;
	[tilespmem:s13+$0xE0] =	vst v5;
	v4 =	vld [tilespmem:s0+$0x10]  }
0xb9: {  	(v2sf) =	vpush v2, $0x9;
	[tilespmem:s16+$0xFFFFFE30] =	vst v6;
	v5 =	vld [tilespmem:s17+$0x10]  }
0xba: {  	(v2sf) =	vpush v0, $0x4;
	v6 =	vld [tilespmem:s31+$0x0];
	s17 =	simm.s32 $0x8070  }
0xbb: {  	(v2sf) =	vpush v1, $0xF;
	v1 =	vld [tilespmem:s17+$0x0]  }
0xbc: {  	[tilespmem:s13+$0xFFFFFEE0] =	vst v7;
	v60 =	vld [tilespmem:s17+$0xFFFFFFF0]  }
0xbd: {  	v7 =	vld [tilespmem:s26+$0x10];
	[tilespmem:s16+$0x40] =	vst v3  }
0xbe: {  	v3 =	vld [tilespmem:s21+$0x10];
	[tilespmem:s12+$0xFFFFFF70] =	vst v8  }
0xbf: {  	v8 =	vld [tilespmem:s4+$0x0];
	[tilespmem:s16+$0xFFFFFE40] =	vst v6  }
0xc0: {  	s6 =	spop (v2sf);
	[tilespmem:s12+$0x190] =	vst v4;
	v6 =	vld [tilespmem:s31+$0x10]  }
0xc1: {  	s11 =	spop (v2sf);
	[tilespmem:s13+$0xF0] =	vst v5;
	v4 =	vld [tilespmem:s6+$0x0]  }
0xc2: {  	v5 =	vld [tilespmem:s11+$0x0];
	[tilespmem:s13+$0xFFFFFEF0] =	vst v7  }
0xc3: {  	s14 =	spop (v2sf);
	v7 =	vld [tilespmem:s24+$0x0];
	[tilespmem:s16+$0x50] =	vst v3  }
0xc4: {  	v3 =	vld [tilespmem:s14+$0x0];
	[tilespmem:s12+$0xFFFFFF80] =	vst v8  }
0xc5: {  	v8 =	vld [tilespmem:s4+$0x10];
	[tilespmem:s16+$0xFFFFFE50] =	vst v6  }
0xc6: {  	[tilespmem:s12+$0x1A0] =	vst v4;
	v6 =	vld [tilespmem:s30+$0x0]  }
0xc7: {  	[tilespmem:s13+$0x100] =	vst v5;
	v4 =	vld [tilespmem:s6+$0x10]  }
0xc8: {  	v5 =	vld [tilespmem:s11+$0x10];
	[tilespmem:s13+$0xFFFFFF00] =	vst v7  }
0xc9: {  	v7 =	vld [tilespmem:s24+$0x10];
	[tilespmem:s16+$0x60] =	vst v3  }
0xca: {  	v3 =	vld [tilespmem:s14+$0x10];
	[tilespmem:s12+$0xFFFFFF90] =	vst v8  }
0xcb: {  	v8 =	vld [tilespmem:s9+$0x0];
	[tilespmem:s16+$0xFFFFFE60] =	vst v6  }
0xcc: {  	(v2sf) =	vpush v2, $0xA;
	s21 =	spop (v2sf);
	[tilespmem:s12+$0x1B0] =	vst v4;
	v4 =	vld [tilespmem:s30+$0x10]  }
0xcd: {  	(v2sf) =	vpush v0, $0x5;
	s24 =	spop (v2sf);
	[tilespmem:s13+$0x110] =	vst v5;
	v6 =	vld [tilespmem:s21+$0x0]  }
0xce: {  	v5 =	vld [tilespmem:s24+$0x0];
	[tilespmem:s13+$0xFFFFFF10] =	vst v7  }
0xcf: {  	s26 =	spop (v2sf);
	[tilespmem:s16+$0x70] =	vst v3;
	v3 =	vld [tilespmem:s3+$0x0]  }
0xd0: {  	v7 =	vld [tilespmem:s26+$0x0];
	[tilespmem:s12+$0xFFFFFFA0] =	vst v8  }
0xd1: {  	v8 =	vld [tilespmem:s9+$0x10];
	[tilespmem:s16+$0xFFFFFE70] =	vst v4  }
0xd2: {  	v1 =	vshll.u32 v1, $0x7;
	[tilespmem:s12+$0x1C0] =	vst v6  }
0xd3: {  	v1 =	vshra.s32 v1, $0x2;
	[tilespmem:s13+$0x120] =	vst v5;
	v4 =	vld [tilespmem:s29+$0x0]  }
0xd4: {  	(v2sf) =	vpush v1, $0x0;
	v5 =	vshll.u32 v60, $0x7;
	v6 =	vld [tilespmem:s21+$0x10];
	[tilespmem:s13+$0xFFFFFF20] =	vst v3  }
0xd5: {  	(v2sf) =	vpush v2, $0xB;
	v5 =	vshra.s32 v5, $0x2;
	[tilespmem:s16+$0x80] =	vst v7;
	v3 =	vld [tilespmem:s3+$0x10]  }
0xd6: {  	(v2sf) =	vpush v5, $0x0;
	[tilespmem:s12+$0xFFFFFFB0] =	vst v8;
	v8 =	vld [tilespmem:s24+$0x10]  }
0xd7: {  	(v2sf) =	vpush v5, $0x1;
	v7 =	vld [tilespmem:s26+$0x10]  }
0xd8: {  	(v2sf) =	vpush v5, $0x2;
	v61 =	vld [tilespmem:s2+$0x0];
	[tilespmem:s16+$0xFFFFFE80] =	vst v4  }
0xd9: {  	s9 =	spop (v2sf);
	(v2sf) =	vpush v5, $0x3;
	[tilespmem:s12+$0x1D0] =	vst v6;
	v4 =	vld [tilespmem:s29+$0x10]  }
0xda: {  	(v2sf) =	vpush v0, $0x6;
	v6 =	vld [tilespmem:s9+$0x0];
	[tilespmem:s13+$0xFFFFFF30] =	vst v3  }
0xdb: {  	s11 =	spop (v2sf);
	(v2sf) =	vpush v5, $0x4;
	v3 =	vld [tilespmem:s5+$0x0];
	[tilespmem:s13+$0x130] =	vst v8  }
0xdc: {  	s14 =	spop (v2sf);
	(v2sf) =	vpush v5, $0x5;
	[tilespmem:s16+$0x90] =	vst v7;
	v8 =	vld [tilespmem:s11+$0x0]  }
0xdd: {  	(v2sf) =	vpush v5, $0x6;
	v7 =	vld [tilespmem:s14+$0x0];
	[tilespmem:s12+$0xFFFFFFC0] =	vst v61  }
0xde: {  	(v2sf) =	vpush v5, $0x7;
	v9 =	vld [tilespmem:s2+$0x10];
	[tilespmem:s16+$0xFFFFFE90] =	vst v4  }
0xdf: {  	(v2sf) =	vpush v1, $0x1;
	[tilespmem:s12+$0x1E0] =	vst v6;
	v4 =	vld [tilespmem:s28+$0x0]  }
0xe0: {  	(v2sf) =	vpush v5, $0x8;
	v6 =	vld [tilespmem:s9+$0x10];
	[tilespmem:s13+$0xFFFFFF40] =	vst v3  }
0xe1: {  	(v2sf) =	vpush v2, $0xC;
	v3 =	vld [tilespmem:s5+$0x10];
	[tilespmem:s13+$0x140] =	vst v8  }
0xe2: {  	(v2sf) =	vpush v5, $0x9;
	[tilespmem:s16+$0xA0] =	vst v7;
	v8 =	vld [tilespmem:s11+$0x10]  }
0xe3: {  	s17 =	spop (v2sf);
	(v2sf) =	vpush v5, $0xA;
	v7 =	vld [tilespmem:s14+$0x10];
	[tilespmem:s12+$0xFFFFFFD0] =	vst v9  }
0xe4: {  	s21 =	spop (v2sf);
	(v2sf) =	vpush v5, $0xB;
	v9 =	vld [tilespmem:s15+$0x0];
	[tilespmem:s16+$0xFFFFFEA0] =	vst v4  }
0xe5: {  	s26 =	spop (v2sf);
	[tilespmem:s12+$0x1F0] =	vst v6;
	v6 =	vld [tilespmem:s17+$0x0]  }
0xe6: {  	(v2sf) =	vpush v5, $0xC;
	s11 =	spop (v2sf);
	v4 =	vld [tilespmem:s28+$0x10];
	[tilespmem:s13+$0xFFFFFF50] =	vst v3  }
0xe7: {  	(v2sf) =	vpush v0, $0x7;
	v62 =	vld [tilespmem:s26+$0x0];
	s6 =	spop (v2sf);
	[tilespmem:s13+$0x150] =	vst v8  }
0xe8: {  	s3 =	spop (v2sf);
	[tilespmem:s16+$0xB0] =	vst v7;
	v8 =	vld [tilespmem:s21+$0x0]  }
0xe9: {  	s24 =	simm.s32 $0x9200;
	v3 =	vld [tilespmem:s8+$0x0];
	s28 =	spop (v2sf);
	[tilespmem:s12+$0xFFFFFFE0] =	vst v9  }
0xea: {  	v7 =	vld [tilespmem:s28+$0x0];
	s4 =	spop (v2sf);
	[tilespmem:s24+$0x0] =	vst v6  }
0xeb: {  	(v2sf) =	vpush v5, $0xD;
	s2 =	spop (v2sf);
	[tilespmem:s16+$0xFFFFFEB0] =	vst v4;
	v6 =	vld [tilespmem:s17+$0x10]  }
0xec: {  	(v2sf) =	vpush v5, $0xE;
	[tilespmem:s24+$0xFFFFFE00] =	vst v62;
	s31 =	spop (v2sf);
	v4 =	vld [tilespmem:s25+$0x0]  }
0xed: {  	(v2sf) =	vpush v5, $0xF;
	v5 =	vld [tilespmem:s26+$0x10];
	s30 =	spop (v2sf);
	[tilespmem:s13+$0x160] =	vst v8  }
0xee: {  	[tilespmem:s13+$0xFFFFFF60] =	vst v3;
	s17 =	spop (v2sf);
	v8 =	vld [tilespmem:s21+$0x10]  }
0xef: {  	[tilespmem:s16+$0xC0] =	vst v7;
	s29 =	spop (v2sf)  }
0xf0: {  	(v2sf) =	vpush v1, $0x2;
	v3 =	vld [tilespmem:s8+$0x10];
	s21 =	spop (v2sf);
	[tilespmem:s24+$0x10] =	vst v6  }
0xf1: {  	(v2sf) =	vpush v2, $0xD;
	v7 =	vld [tilespmem:s28+$0x10];
	[tilespmem:s16+$0xFFFFFEC0] =	vst v4;
	s5 =	spop (v2sf)  }
0xf2: {  	[tilespmem:s24+$0xFFFFFE10] =	vst v5;
	v4 =	vld [tilespmem:s25+$0x10];
	s8 =	spop (v2sf)  }
0xf3: {  	v6 =	vld [tilespmem:s17+$0x0];
	s26 =	spop (v2sf);
	[tilespmem:s13+$0x170] =	vst v8  }
0xf4: {  	(v2sf) =	vpush v0, $0x8;
	v5 =	vld [tilespmem:s21+$0x0];
	[dreg:$0x7] =	wrdreg s26  }
0xf5: {  	s25 =	spop (v2sf);
	v8 =	vld [tilespmem:s11+$0x0];
	[tilespmem:s13+$0xFFFFFF70] =	vst v3  }
0xf6: {  	s28 =	spop (v2sf);
	[tilespmem:s16+$0xD0] =	vst v7;
	v3 =	vld [tilespmem:s1+$0x0]  }
0xf7: {  	[tilespmem:s16+$0xFFFFFED0] =	vst v4;
	v7 =	vld [tilespmem:s28+$0x0]  }
0xf8: {  	[tilespmem:s24+$0x20] =	vst v6;
	v4 =	vld [tilespmem:s10+$0x0]  }
0xf9: {  	v6 =	vld [tilespmem:s17+$0x10];
	[tilespmem:s13+$0x180] =	vst v5  }
0xfa: {  	v5 =	vld [tilespmem:s21+$0x10];
	[tilespmem:s24+$0xFFFFFE20] =	vst v8  }
0xfb: {  	v8 =	vld [tilespmem:s11+$0x10];
	[tilespmem:s13+$0xFFFFFF80] =	vst v3  }
0xfc: {  	(v2sf) =	vpush v1, $0x3;
	s26 =	spop (v2sf);
	[tilespmem:s16+$0xE0] =	vst v7;
	v3 =	vld [tilespmem:s1+$0x10]  }
0xfd: {  	(v2sf) =	vpush v2, $0xE;
	s9 =	spop (v2sf);
	[tilespmem:s16+$0xFFFFFEE0] =	vst v4  }
0xfe: {  	s0 =	spop (v2sf);
	[tilespmem:s24+$0x30] =	vst v6;
	v7 =	vld [tilespmem:s28+$0x10]  }
0xff: {  	s14 =	spop (v2sf);
	v4 =	vld [tilespmem:s10+$0x10];
	[tilespmem:s13+$0x190] =	vst v5  }
0x100: {  	s17 =	spop (v2sf);
	v6 =	vld [tilespmem:s14+$0x0];
	[tilespmem:s24+$0xFFFFFE30] =	vst v8  }
0x101: {  	v5 =	vld [tilespmem:s17+$0x0];
	[tilespmem:s13+$0xFFFFFF90] =	vst v3  }
0x102: {  	v8 =	vld [tilespmem:s6+$0x0];
	s21 =	rddreg [dreg:$0xd]  }
0x103: {  	s28 =	spop (v2sf);
	[tilespmem:s16+$0xF0] =	vst v7;
	v3 =	vld [tilespmem:s21+$0x0]  }
0x104: {  	[tilespmem:s16+$0xFFFFFEF0] =	vst v4;
	v7 =	vld [tilespmem:s28+$0x0]  }
0x105: {  	[tilespmem:s24+$0x40] =	vst v6;
	v4 =	vld [tilespmem:s7+$0x0]  }
0x106: {  	v6 =	vld [tilespmem:s14+$0x10];
	[tilespmem:s13+$0x1A0] =	vst v5  }
0x107: {  	v63 =	vld [tilespmem:s17+$0x10];
	[tilespmem:s24+$0xFFFFFE40] =	vst v8  }
0x108: {  	v8 =	vld [tilespmem:s6+$0x10];
	[tilespmem:s13+$0xFFFFFFA0] =	vst v3  }
0x109: {  	[tilespmem:s16+$0x100] =	vst v7;
	v10 =	vld [tilespmem:s21+$0x10]  }
0x10a: {  	[tilespmem:s16+$0xFFFFFF00] =	vst v4;
	v3 =	vld [tilespmem:s28+$0x10]  }
0x10b: {  	(v2sf) =	vpush v0, $0x9;
	s14 =	spop (v2sf);
	[tilespmem:s24+$0x50] =	vst v6;
	v4 =	vld [tilespmem:s7+$0x10]  }
0x10c: {  	(v2sf) =	vpush v1, $0x4;
	v5 =	vld [tilespmem:s14+$0x0];
	s7 =	spop (v2sf);
	[tilespmem:s13+$0x1B0] =	vst v63  }
0x10d: {  	(v2sf) =	vpush v2, $0xF;
	[tilespmem:s24+$0xFFFFFE50] =	vst v8;
	v2 =	vld [tilespmem:s7+$0x0]  }
0x10e: {  	s1 =	simm.s32 $0x6;
	s6 =	simm.s32 $0x8090;
	(v2sf) =	vpush v0, $0xA;
	v6 =	vld [tilespmem:s3+$0x0];
	[tilespmem:s13+$0xFFFFFFB0] =	vst v10  }
.LBB2_2:
0x10f: {  	_ =	sdelay $0x7  }
0x110: {  	v7 =	vld [tilespmem:s6+$0x0];
	[tilespmem:s24+$0x60] =	vst v5  }
0x111: {  	v5 =	vld [tilespmem:s14+$0x10];
	[tilespmem:s24+$0xFFFFFE60] =	vst v6  }
0x112: {  	v8 =	vld [tilespmem:s6+$0xFFFFFFF0];
	[tilespmem:s16+$0xFFFFFF10] =	vst v4  }
0x113: {  	[tilespmem:s16+$0x110] =	vst v3;
	v4 =	vld [tilespmem:s3+$0x10];
	s10 =	spop (v2sf)  }
0x114: {  	v3 =	vld [tilespmem:s10+$0x0]  }
0x115: {  	[tilespmem:s13+$0x1C0] =	vst v2  }
0x116: {  	v6 =	vld [tilespmem:s7+$0x10]  }
0x117: {  	(v2sf) =	vpush v1, $0x5;
	s17 =	spop (v2sf);
	[tilespmem:s24+$0x70] =	vst v5;
	v5 =	vld [tilespmem:s19+$0x0]  }
0x118: {  	s28 =	rddreg [dreg:$0x4];
	v2 =	vshll.u32 v7, $0x7;
	[tilespmem:s24+$0xFFFFFE70] =	vst v4;
	v7 =	vld [tilespmem:s17+$0x0]  }
0x119: {  	v4 =	vld [tilespmem:s28+$0x0];
	[tilespmem:s16+$0x120] =	vst v3  }
0x11a: {  	v3 =	vld [tilespmem:s10+$0x10]  }
0x11b: {  	v2 =	vshra.s32 v2, $0x2;
	s21 =	spop (v2sf);
	v9 =	vld [tilespmem:s4+$0x0];
	[tilespmem:s13+$0x1D0] =	vst v6  }
0x11c: {  	(v2sf) =	vpush v2, $0x0;
	v6 =	vshll.u32 v8, $0x7;
	[tilespmem:s16+$0xFFFFFF20] =	vst v5;
	v8 =	vld [tilespmem:s21+$0x0]  }
0x11d: {  	(v2sf) =	vpush v0, $0xB;
	v6 =	vshra.s32 v6, $0x2;
	[tilespmem:s24+$0x80] =	vst v7  }
0x11e: {  	s11 =	smov.u32 s5;
	v5 =	vld [tilespmem:s19+$0x10];
	[tilespmem:s13+$0xFFFFFFC0] =	vst v4;
	(v2sf) =	vpush v6, $0x0  }
0x11f: {  	[dreg:$0x8] =	wrdreg s11;
	s11 =	spop (v2sf);
	v7 =	vld [tilespmem:s17+$0x10];
	[tilespmem:s16+$0x130] =	vst v3  }
0x120: {  	[tilespmem:s24+$0xFFFFFE80] =	vst v9;
	(v2sf) =	vpush v6, $0x1;
	v3 =	vld [tilespmem:s11+$0x0]  }
0x121: {  	(v2sf) =	vpush v6, $0x2;
	[tilespmem:s13+$0x1E0] =	vst v8;
	v8 =	vld [tilespmem:s28+$0x10]  }
0x122: {  	v9 =	vld [tilespmem:s4+$0x10];
	(v2sf) =	vpush v6, $0x3  }
0x123: {  	(v2sf) =	vpush v1, $0x6;
	[tilespmem:s16+$0xFFFFFF30] =	vst v5;
	v4 =	vld [tilespmem:s21+$0x10]  }
0x124: {  	s17 =	rddreg [dreg:$0x6];
	(v2sf) =	vpush v6, $0x4;
	[tilespmem:s24+$0x90] =	vst v7  }
0x125: {  	v5 =	vld [tilespmem:s17+$0x0];
	(v2sf) =	vpush v6, $0x5;
	[tilespmem:s16+$0x140] =	vst v3  }
0x126: {  	s14 =	smov.u32 s18;
	s28 =	rddreg [dreg:$0x3];
	s18 =	spop (v2sf);
	(v2sf) =	vpush v6, $0x6;
	v3 =	vld [tilespmem:s15+$0x10];
	[tilespmem:s13+$0xFFFFFFD0] =	vst v8  }
0x127: {  	s19 =	smov.u32 s28;
	(v2sf) =	vpush v6, $0x7;
	[tilespmem:s24+$0xFFFFFE90] =	vst v9;
	v7 =	vld [tilespmem:s18+$0x0]  }
0x128: {  	(v2sf) =	vpush v2, $0x1;
	[tilespmem:s13+$0x1F0] =	vst v4;
	v8 =	vld [tilespmem:s19+$0x0]  }
0x129: {  	(v2sf) =	vpush v6, $0x8;
	v4 =	vld [tilespmem:s11+$0x10]  }
0x12a: {  	v9 =	vld [tilespmem:s2+$0x0];
	[tilespmem:s16+$0xFFFFFF40] =	vst v5;
	(v2sf) =	vpush v0, $0xC  }
0x12b: {  	s10 =	spop (v2sf);
	v5 =	vld [tilespmem:s17+$0x10];
	(v2sf) =	vpush v6, $0x9;
	[tilespmem:s12+$0xFFFFFFF0] =	vst v3  }
0x12c: {  	s15 =	smov.u32 s13;
	(v2sf) =	vpush v6, $0xA;
	v3 =	vld [tilespmem:s10+$0x0];
	s12 =	spop (v2sf);
	[tilespmem:s24+$0xA0] =	vst v7  }
0x12d: {  	[dreg:$0x4] =	wrdreg s14;
	s13 =	smov.u32 s16;
	(v2sf) =	vpush v6, $0xB;
	s14 =	spop (v2sf);
	[tilespmem:s15+$0xFFFFFFE0] =	vst v8;
	v7 =	vld [tilespmem:s18+$0x10]  }
0x12e: {  	s21 =	smov.u32 s9;
	(v2sf) =	vpush v6, $0xC;
	[tilespmem:s13+$0x150] =	vst v4;
	v8 =	vld [tilespmem:s14+$0x0]  }
0x12f: {  	s9 =	smov.u32 s22;
	s22 =	smov.u32 s0;
	s0 =	spop (v2sf);
	[tilespmem:s24+$0xFFFFFEA0] =	vst v9;
	(v2sf) =	vpush v1, $0x7;
	v4 =	vld [tilespmem:s12+$0x0]  }
0x130: {  	s16 =	smov.u32 s24;
	s24 =	sadd.s32 $0x400, s24;
	s7 =	spop (v2sf);
	(v2sf) =	vpush v6, $0xD;
	v9 =	vld [tilespmem:s2+$0x10];
	[tilespmem:s13+$0xFFFFFF50] =	vst v5  }
0x131: {  	s3 =	spop (v2sf);
	(v2sf) =	vpush v6, $0xE;
	[tilespmem:s24+$0x0] =	vst v3;
	v3 =	vld [tilespmem:s23+$0x0]  }
0x132: {  	s17 =	spop (v2sf);
	v5 =	vld [tilespmem:s10+$0x10];
	[tilespmem:s16+$0xB0] =	vst v7  }
0x133: {  	(v2sf) =	vpush v6, $0xF;
	s4 =	spop (v2sf);
	[tilespmem:s24+$0xFFFFFE00] =	vst v8;
	v6 =	vld [tilespmem:s17+$0x0]  }
0x134: {  	s2 =	spop (v2sf);
	(v2sf) =	vpush v2, $0x2;
	[tilespmem:s13+$0x160] =	vst v4;
	v7 =	vld [tilespmem:s14+$0x10]  }
0x135: {  	[dreg:$0x3] =	wrdreg s9;
	s9 =	spop (v2sf);
	[tilespmem:s16+$0xFFFFFEB0] =	vst v9;
	v4 =	vld [tilespmem:s12+$0x10]  }
0x136: {  	s11 =	smov.u32 s8;
	s14 =	spop (v2sf);
	v8 =	vld [tilespmem:s31+$0x0];
	[tilespmem:s13+$0xFFFFFF60] =	vst v3  }
0x137: {  	[dreg:$0x6] =	wrdreg s11;
	(v2sf) =	vpush v0, $0xD;
	s11 =	spop (v2sf);
	[tilespmem:s24+$0x10] =	vst v5;
	v3 =	vld [tilespmem:s23+$0x10]  }
0x138: {  	s10 =	spop (v2sf);
	v5 =	vld [tilespmem:s11+$0x0];
	[tilespmem:s16+$0xC0] =	vst v6  }
0x139: {  	s12 =	spop (v2sf);
	[tilespmem:s24+$0xFFFFFE10] =	vst v7;
	v6 =	vld [tilespmem:s17+$0x10]  }
0x13a: {  	s5 =	spop (v2sf);
	[tilespmem:s13+$0x170] =	vst v4;
	v7 =	vld [tilespmem:s0+$0x0]  }
0x13b: {  	s18 =	rddreg [dreg:$0x7];
	s8 =	spop (v2sf);
	[tilespmem:s16+$0xFFFFFEC0] =	vst v8;
	(v2sf) =	vpush v1, $0x8;
	v4 =	vld [tilespmem:s12+$0x0]  }
0x13c: {  	s23 =	rddreg [dreg:$0x5];
	s17 =	spop (v2sf);
	v8 =	vld [tilespmem:s31+$0x10];
	[tilespmem:s13+$0xFFFFFF70] =	vst v3  }
0x13d: {  	[dreg:$0x7] =	wrdreg s17;
	s17 =	spop (v2sf);
	[tilespmem:s24+$0x20] =	vst v5;
	v3 =	vld [tilespmem:s23+$0x0]  }
0x13e: {  	s28 =	smov.u32 s18;
	s18 =	spop (v2sf);
	v5 =	vld [tilespmem:s11+$0x10];
	[tilespmem:s16+$0xD0] =	vst v6  }
0x13f: {  	s11 =	spop (v2sf);
	[tilespmem:s24+$0xFFFFFE20] =	vst v7;
	v6 =	vld [tilespmem:s18+$0x0]  }
0x140: {  	s31 =	smov.u32 s9;
	s9 =	spop (v2sf);
	(v2sf) =	vpush v2, $0x3;
	[tilespmem:s13+$0x180] =	vst v4;
	v7 =	vld [tilespmem:s0+$0x10]  }
0x141: {  	[tilespmem:s16+$0xFFFFFED0] =	vst v8;
	v4 =	vld [tilespmem:s12+$0x10]  }
0x142: {  	s0 =	spop (v2sf);
	v8 =	vld [tilespmem:s30+$0x0];
	[tilespmem:s13+$0xFFFFFF80] =	vst v3  }
0x143: {  	(v2sf) =	vpush v0, $0xE;
	s12 =	spop (v2sf);
	[tilespmem:s24+$0x30] =	vst v5;
	v3 =	vld [tilespmem:s23+$0x10]  }
0x144: {  	v5 =	vld [tilespmem:s12+$0x0];
	[tilespmem:s16+$0xE0] =	vst v6  }
0x145: {  	[tilespmem:s24+$0xFFFFFE30] =	vst v7;
	v6 =	vld [tilespmem:s18+$0x10]  }
0x146: {  	s18 =	smov.u32 s21;
	[tilespmem:s13+$0x190] =	vst v4;
	s21 =	spop (v2sf);
	v7 =	vld [tilespmem:s7+$0x0]  }
0x147: {  	[tilespmem:s16+$0xFFFFFEE0] =	vst v8;
	v4 =	vld [tilespmem:s21+$0x0]  }
0x148: {  	v8 =	vld [tilespmem:s30+$0x10];
	[tilespmem:s13+$0xFFFFFF90] =	vst v3  }
0x149: {  	s23 =	smov.u32 s25;
	[tilespmem:s24+$0x40] =	vst v5;
	v3 =	vld [tilespmem:s20+$0x0]  }
0x14a: {  	[dreg:$0x5] =	wrdreg s23;
	s23 =	smov.u32 s28;
	s28 =	spop (v2sf);
	v5 =	vld [tilespmem:s12+$0x10];
	[tilespmem:s16+$0xF0] =	vst v6  }
0x14b: {  	[tilespmem:s24+$0xFFFFFE40] =	vst v7;
	v6 =	vld [tilespmem:s28+$0x0]  }
0x14c: {  	[tilespmem:s13+$0x1A0] =	vst v4;
	v7 =	vld [tilespmem:s7+$0x10]  }
0x14d: {  	[tilespmem:s16+$0xFFFFFEF0] =	vst v8;
	v4 =	vld [tilespmem:s21+$0x10]  }
0x14e: {  	s1 =	sadd.s32 $0x2, s1;
	v8 =	vld [tilespmem:s29+$0x0];
	[tilespmem:s13+$0xFFFFFFA0] =	vst v3  }
0x14f: {  	p0 =	slt.u32 s1, $0x3E;
	s30 =	smov.u32 s14;
	s14 =	spop (v2sf);
	[tilespmem:s24+$0x50] =	vst v5;
	v9 =	vld [tilespmem:s20+$0x10]  }
.Ltmp0:
0x150: {  	v5 =	vld [tilespmem:s14+$0x0];
	[tilespmem:s16+$0x100] =	vst v6;
	(pc) =	sbr.rel @p0 .LBB2_2-.Ltmp0, $4  }
0x151: {  	(v2sf) =	vpush v1, $0x9;
	[tilespmem:s24+$0xFFFFFE50] =	vst v7;
	v3 =	vld [tilespmem:s28+$0x10]  }
0x152: {  	s6 =	sadd.s32 $0x20, s6;
	s25 =	smov.u32 s17;
	(v2sf) =	vpush v2, $0x4;
	s7 =	spop (v2sf);
	[tilespmem:s13+$0x1B0] =	vst v4;
	v6 =	vld [tilespmem:s3+$0x0]  }
0x153: {  	(v2sf) =	vpush v0, $0xF;
	v0 =	vmov v1;
	v1 =	vmov v2;
	s12 =	smov.u32 s15;
	s15 =	smov.u32 s19;
	s19 =	rddreg [dreg:$0x8];
	[tilespmem:s16+$0xFFFFFF00] =	vst v8;
	v2 =	vld [tilespmem:s7+$0x0]  }
0x154: {  	s20 =	smov.u32 s26;
	s26 =	smov.u32 s11;
	(v2sf) =	vpush v0, $0xA;
	v4 =	vld [tilespmem:s29+$0x10];
	s29 =	smov.u32 s10;
	[tilespmem:s13+$0xFFFFFFB0] =	vst v9  }
0x155: {  	_ =	sdelay $0x4  }
0x156: {  	[tilespmem:s24+$0xFFFFFE60] =	vst v6  }
0x157: {  	[tilespmem:s24+$0x60] =	vst v5;
	v6 =	vld [tilespmem:s3+$0x10]  }
0x158: {  	v5 =	vld [tilespmem:s14+$0x10];
	_ =	sdelay $0x1  }
0x159: {  	(v2sf) =	vpush v1, $0x5;
	_ =	sdelay $0x1  }
0x15a: {  	[tilespmem:s24+$0xFFFFFE70] =	vst v6;
	s1 =	spop (v2sf)  }
0x15b: {  	[tilespmem:s24+$0x70] =	vst v5;
	v6 =	vld [tilespmem:s4+$0x0];
	s28 =	spop (v2sf)  }
0x15c: {  	v5 =	vld [tilespmem:s28+$0x0];
	_ =	sdelay $0x3  }
0x15d: {  	[tilespmem:s24+$0xFFFFFE80] =	vst v6  }
0x15e: {  	v6 =	vld [tilespmem:s4+$0x10];
	[tilespmem:s24+$0x80] =	vst v5  }
0x15f: {  	v5 =	vld [tilespmem:s28+$0x10]  }
0x160: {  	(v2sf) =	vpush v0, $0xB  }
0x161: {  	(v2sf) =	vpush v1, $0x6  }
0x162: {  	s11 =	spop (v2sf)  }
0x163: {  	s14 =	spop (v2sf);
	[tilespmem:s24+$0xFFFFFE90] =	vst v6  }
0x164: {  	s4 =	spop (v2sf);
	v6 =	vld [tilespmem:s2+$0x0];
	[tilespmem:s24+$0x90] =	vst v5  }
0x165: {  	v5 =	vld [tilespmem:s4+$0x0];
	_ =	sdelay $0x3  }
0x166: {  	[tilespmem:s24+$0xFFFFFEA0] =	vst v6  }
0x167: {  	v6 =	vld [tilespmem:s2+$0x10];
	[tilespmem:s24+$0xA0] =	vst v5  }
0x168: {  	v5 =	vld [tilespmem:s4+$0x10]  }
0x169: {  	(v2sf) =	vpush v0, $0xC  }
0x16a: {  	(v2sf) =	vpush v1, $0x7;
	_ =	sdelay $0x1  }
0x16b: {  	s10 =	spop (v2sf);
	[tilespmem:s24+$0xFFFFFEB0] =	vst v6  }
0x16c: {  	s6 =	spop (v2sf);
	v6 =	vld [tilespmem:s31+$0x0];
	[tilespmem:s24+$0xB0] =	vst v5  }
0x16d: {  	v5 =	vld [tilespmem:s6+$0x0];
	_ =	sdelay $0x3  }
0x16e: {  	[tilespmem:s24+$0xFFFFFEC0] =	vst v6  }
0x16f: {  	v6 =	vld [tilespmem:s31+$0x10];
	[tilespmem:s24+$0xC0] =	vst v5  }
0x170: {  	v5 =	vld [tilespmem:s6+$0x10]  }
0x171: {  	(v2sf) =	vpush v0, $0xD  }
0x172: {  	(v2sf) =	vpush v1, $0x8;
	_ =	sdelay $0x1  }
0x173: {  	s6 =	spop (v2sf);
	[tilespmem:s24+$0xFFFFFED0] =	vst v6  }
0x174: {  	s17 =	spop (v2sf);
	v6 =	vld [tilespmem:s30+$0x0];
	[tilespmem:s24+$0xD0] =	vst v5  }
0x175: {  	v5 =	vld [tilespmem:s17+$0x0];
	_ =	sdelay $0x3  }
0x176: {  	[tilespmem:s24+$0xFFFFFEE0] =	vst v6  }
0x177: {  	v6 =	vld [tilespmem:s30+$0x10];
	[tilespmem:s24+$0xE0] =	vst v5  }
0x178: {  	v5 =	vld [tilespmem:s17+$0x10]  }
0x179: {  	(v2sf) =	vpush v0, $0xE  }
0x17a: {  	(v2sf) =	vpush v1, $0x9;
	_ =	sdelay $0x1  }
0x17b: {  	s4 =	spop (v2sf);
	[tilespmem:s24+$0xFFFFFEF0] =	vst v6  }
0x17c: {  	s21 =	spop (v2sf);
	v6 =	vld [tilespmem:s29+$0x0];
	[tilespmem:s24+$0xF0] =	vst v5  }
0x17d: {  	v5 =	vld [tilespmem:s21+$0x0];
	_ =	sdelay $0x3  }
0x17e: {  	[tilespmem:s24+$0xFFFFFF00] =	vst v6  }
0x17f: {  	v6 =	vld [tilespmem:s29+$0x10];
	[tilespmem:s24+$0x100] =	vst v5  }
0x180: {  	[tilespmem:s16+$0xFFFFFF10] =	vst v4;
	v5 =	vld [tilespmem:s21+$0x10]  }
0x181: {  	[tilespmem:s16+$0x110] =	vst v3;
	v54 =	vld [tilespmem:s19+$0x0];
	(v2sf) =	vpush v0, $0xF  }
0x182: {  	v53 =	vld [tilespmem:s1+$0x0];
	(v2sf) =	vpush v1, $0xA;
	_ =	sdelay $0x1  }
0x183: {  	s3 =	spop (v2sf);
	[tilespmem:s24+$0xFFFFFF10] =	vst v6  }
0x184: {  	s28 =	spop (v2sf);
	v56 =	vld [tilespmem:s5+$0x0];
	[tilespmem:s24+$0x110] =	vst v5  }
0x185: {  	[tilespmem:s16+$0xFFFFFF20] =	vst v54;
	v55 =	vld [tilespmem:s28+$0x0]  }
0x186: {  	v3 =	vld [tilespmem:s19+$0x10];
	[tilespmem:s16+$0x120] =	vst v53  }
0x187: {  	v0 =	vld [tilespmem:s1+$0x10];
	_ =	sdelay $0x1  }
0x188: {  	[tilespmem:s24+$0xFFFFFF20] =	vst v56  }
0x189: {  	v5 =	vld [tilespmem:s5+$0x10];
	[tilespmem:s24+$0x120] =	vst v55  }
0x18a: {  	[tilespmem:s16+$0xFFFFFF30] =	vst v3;
	v4 =	vld [tilespmem:s28+$0x10]  }
0x18b: {  	[tilespmem:s16+$0x130] =	vst v0  }
0x18c: {  	v0 =	vld [tilespmem:s14+$0x0];
	(v2sf) =	vpush v1, $0xB;
	s30 =	rddreg [dreg:$0x6]  }
0x18d: {  	v3 =	vld [tilespmem:s30+$0x0]  }
0x18e: {  	s29 =	spop (v2sf);
	[tilespmem:s24+$0xFFFFFF30] =	vst v5  }
0x18f: {  	s31 =	spop (v2sf);
	v5 =	vld [tilespmem:s8+$0x0];
	[tilespmem:s24+$0x130] =	vst v4  }
0x190: {  	v4 =	vld [tilespmem:s31+$0x0]  }
0x191: {  	[tilespmem:s16+$0x140] =	vst v0  }
0x192: {  	v0 =	vld [tilespmem:s14+$0x10];
	[tilespmem:s16+$0xFFFFFF40] =	vst v3  }
0x193: {  	v3 =	vld [tilespmem:s30+$0x10]  }
0x194: {  	[tilespmem:s24+$0xFFFFFF40] =	vst v5  }
0x195: {  	v5 =	vld [tilespmem:s8+$0x10];
	[tilespmem:s24+$0x140] =	vst v4  }
0x196: {  	v4 =	vld [tilespmem:s31+$0x10]  }
0x197: {  	[tilespmem:s16+$0x150] =	vst v0  }
0x198: {  	(v2sf) =	vpush v1, $0xC;
	v0 =	vld [tilespmem:s10+$0x0];
	[tilespmem:s16+$0xFFFFFF50] =	vst v3  }
0x199: {  	v3 =	vld [tilespmem:s23+$0x0]  }
0x19a: {  	[tilespmem:s24+$0xFFFFFF50] =	vst v5  }
0x19b: {  	s5 =	spop (v2sf);
	[tilespmem:s24+$0x150] =	vst v4  }
0x19c: {  	v4 =	vld [tilespmem:s5+$0x0];
	s8 =	rddreg [dreg:$0x7]  }
0x19d: {  	[tilespmem:s16+$0x160] =	vst v0;
	v5 =	vld [tilespmem:s8+$0x0]  }
0x19e: {  	[tilespmem:s16+$0xFFFFFF60] =	vst v3;
	v0 =	vld [tilespmem:s10+$0x10]  }
0x19f: {  	v3 =	vld [tilespmem:s23+$0x10];
	_ =	sdelay $0x1  }
0x1a0: {  	[tilespmem:s24+$0x160] =	vst v4  }
0x1a1: {  	v4 =	vld [tilespmem:s5+$0x10];
	[tilespmem:s24+$0xFFFFFF60] =	vst v5  }
0x1a2: {  	[tilespmem:s16+$0x170] =	vst v0;
	v5 =	vld [tilespmem:s8+$0x10]  }
0x1a3: {  	(v2sf) =	vpush v1, $0xD;
	[tilespmem:s16+$0xFFFFFF70] =	vst v3  }
0x1a4: {  	v0 =	vld [tilespmem:s6+$0x0];
	s14 =	rddreg [dreg:$0x5]  }
0x1a5: {  	v3 =	vld [tilespmem:s14+$0x0]  }
0x1a6: {  	s17 =	spop (v2sf);
	[tilespmem:s24+$0x170] =	vst v4  }
0x1a7: {  	v4 =	vld [tilespmem:s17+$0x0];
	[tilespmem:s24+$0xFFFFFF70] =	vst v5  }
0x1a8: {  	v5 =	vld [tilespmem:s25+$0x0]  }
0x1a9: {  	[tilespmem:s16+$0x180] =	vst v0  }
0x1aa: {  	v0 =	vld [tilespmem:s6+$0x10];
	[tilespmem:s16+$0xFFFFFF80] =	vst v3  }
0x1ab: {  	v3 =	vld [tilespmem:s14+$0x10]  }
0x1ac: {  	[tilespmem:s24+$0x180] =	vst v4  }
0x1ad: {  	v4 =	vld [tilespmem:s17+$0x10];
	[tilespmem:s24+$0xFFFFFF80] =	vst v5  }
0x1ae: {  	v5 =	vld [tilespmem:s25+$0x10]  }
0x1af: {  	(v2sf) =	vpush v1, $0xE;
	[tilespmem:s16+$0x190] =	vst v0  }
0x1b0: {  	v0 =	vld [tilespmem:s4+$0x0];
	[tilespmem:s16+$0xFFFFFF90] =	vst v3  }
0x1b1: {  	v3 =	vld [tilespmem:s20+$0x0]  }
0x1b2: {  	s19 =	spop (v2sf);
	[tilespmem:s24+$0x190] =	vst v4  }
0x1b3: {  	v4 =	vld [tilespmem:s19+$0x0];
	[tilespmem:s24+$0xFFFFFF90] =	vst v5  }
0x1b4: {  	v5 =	vld [tilespmem:s26+$0x0]  }
0x1b5: {  	[tilespmem:s16+$0x1A0] =	vst v0  }
0x1b6: {  	v0 =	vld [tilespmem:s4+$0x10];
	[tilespmem:s16+$0xFFFFFFA0] =	vst v3  }
0x1b7: {  	[tilespmem:s13+$0x1C0] =	vst v2;
	v3 =	vld [tilespmem:s20+$0x10]  }
0x1b8: {  	v58 =	vld [tilespmem:s7+$0x10];
	[tilespmem:s24+$0x1A0] =	vst v4  }
0x1b9: {  	v4 =	vld [tilespmem:s19+$0x10];
	[tilespmem:s24+$0xFFFFFFA0] =	vst v5  }
0x1ba: {  	v5 =	vld [tilespmem:s26+$0x10];
	s21 =	rddreg [dreg:$0x4]  }
0x1bb: {  	(v2sf) =	vpush v1, $0xF;
	[tilespmem:s16+$0x1B0] =	vst v0;
	v57 =	vld [tilespmem:s21+$0x0]  }
0x1bc: {  	v61 =	vld [tilespmem:s15+$0x10];
	[tilespmem:s16+$0xFFFFFFB0] =	vst v3  }
0x1bd: {  	[tilespmem:s13+$0x1D0] =	vst v58;
	v0 =	vld [tilespmem:s3+$0x0]  }
0x1be: {  	s23 =	spop (v2sf);
	v3 =	vld [tilespmem:s18+$0x0];
	[tilespmem:s24+$0x1B0] =	vst v4  }
0x1bf: {  	v4 =	vld [tilespmem:s23+$0x0];
	[tilespmem:s24+$0xFFFFFFB0] =	vst v5  }
0x1c0: {  	[tilespmem:s13+$0xFFFFFFC0] =	vst v57;
	v59 =	vld [tilespmem:s9+$0x0]  }
0x1c1: {  	[tilespmem:s12+$0xFFFFFFF0] =	vst v61;
	v60 =	vld [tilespmem:s21+$0x10]  }
0x1c2: {  	[tilespmem:s16+$0x1C0] =	vst v0  }
0x1c3: {  	[tilespmem:s16+$0xFFFFFFC0] =	vst v3;
	v0 =	vld [tilespmem:s3+$0x10]  }
0x1c4: {  	v3 =	vld [tilespmem:s18+$0x10];
	[tilespmem:s24+$0x1C0] =	vst v4  }
0x1c5: {  	v4 =	vld [tilespmem:s23+$0x10];
	[tilespmem:s24+$0xFFFFFFC0] =	vst v59  }
0x1c6: {  	v2 =	vld [tilespmem:s9+$0x10];
	[tilespmem:s13+$0xFFFFFFD0] =	vst v60  }
0x1c7: {  	v62 =	vld [tilespmem:s11+$0x0];
	s25 =	rddreg [dreg:$0x3]  }
0x1c8: {  	[tilespmem:s16+$0x1D0] =	vst v0;
	v63 =	vld [tilespmem:s25+$0x0]  }
0x1c9: {  	[tilespmem:s16+$0xFFFFFFD0] =	vst v3;
	v0 =	vld [tilespmem:s29+$0x0]  }
0x1ca: {  	s26 =	spop (v2sf);
	v3 =	vld [tilespmem:s22+$0x0];
	[tilespmem:s24+$0x1D0] =	vst v4  }
0x1cb: {  	v4 =	vld [tilespmem:s26+$0x0];
	[tilespmem:s24+$0xFFFFFFD0] =	vst v2  }
0x1cc: {  	[tilespmem:s13+$0x1E0] =	vst v62;
	v2 =	vld [tilespmem:s0+$0x0]  }
0x1cd: {  	v5 =	vld [tilespmem:s11+$0x10];
	[tilespmem:s13+$0xFFFFFFE0] =	vst v63  }
0x1ce: {  	[tilespmem:s16+$0x1E0] =	vst v0;
	v1 =	vld [tilespmem:s25+$0x10]  }
0x1cf: {  	[tilespmem:s16+$0xFFFFFFE0] =	vst v3;
	v0 =	vld [tilespmem:s29+$0x10]  }
0x1d0: {  	v3 =	vld [tilespmem:s22+$0x10];
	[tilespmem:s24+$0x1E0] =	vst v4  }
0x1d1: {  	v4 =	vld [tilespmem:s26+$0x10];
	[tilespmem:s24+$0xFFFFFFE0] =	vst v2  }
0x1d2: {  	[tilespmem:s13+$0x1F0] =	vst v5;
	v2 =	vld [tilespmem:s0+$0x10]  }
0x1d3: {  	[tilespmem:s13+$0xFFFFFFF0] =	vst v1  }
0x1d4: {  	[tilespmem:s16+$0x1F0] =	vst v0  }
0x1d5: {  	[tilespmem:s16+$0xFFFFFFF0] =	vst v3  }
0x1d6: {  	[tilespmem:s24+$0x1F0] =	vst v4  }
0x1d7: {  	s1 =	simm.s32 $0x1;
	[tilespmem:s24+$0xFFFFFFF0] =	vst v2  }
0x1d8: {  	s5 =	simm.s32 $0x0;
	s29 =	simm.s32 $0x8400;
	s28 =	rddreg [dreg:$0xa]  }
0x1d9: {  	[hbm4b:s28+s5] =	stream.linear.scatter [tilespmem:s29], [sflag:$0x1], $0x8000, $0x38;
	[tilespmem:$0x10400] =	vst v63  }
0x1da: {  	_ =	swait.ge [sflag:s1], $0x8000  }
0x1db: {  	s30 =	rddreg [dreg:$0xc]  }
0x1dc: {  	s31 =	rddreg [dreg:$0xb];
	s2 =	sadd.s32 $0x1, s30  }
0x1dd: {  	p0 =	sne.s32 s2, s31  }
.Ltmp1:
0x1de: {  	_ = 	snop;
	(pc) =	sbr.rel @p0 .LBB2_1-.Ltmp1, $3  }
0x1df: {  	_ =	sdelay $0x1  }
0x1e0: {  	[sflag:s1] =	ssyncset.done $0x0  }
0x1e1: {  	[sflag:s1] =	ssyncadd.s32 $0xFFFF8000  }
0x1e2: {  	_ =	sfence.sel $0x180000  }
0x1e3: {  	[bflag:$0x0] =	sbarrier.arrive $0xFFFF  }
0x1e4: {  	_ =	strace $0x90000047  }
0x1e5: {  	s0 =	stileid.u32;
	[bflag:$0x2] =	sbarrier.arrive $0xFFFF  }
0x1e6: {  	p0 =	sne.s32 s0, $0x0;
	s0 =	rddreg [dreg:$0x2]  }
0x1e7: {  	s0 =	sadd.s32 @!p0 $0x100000, s0  }
0x1e8: {  	[sflag:s0] =	ssyncadd.tile.s32 @!p0 $0x1;
	_ =	shalt  }
.Lfunc_end2:
_tile_overlayer_lowered:
.L_overlay_start_2:
0x1e9: {  	(tag) =	ssettag $0x2  }
0x1ea: {  	s0 =	rddreg [dreg:$0x0];
	s2 =	stileid.u32  }
0x1eb: {  	s1 =	rddreg [dreg:$0x1];
	p0 =	sne.s32 s2, $0x0  }
0x1ec: {  	s3 =	rddreg [dreg:$0x2];
	[bflag:$0x3] =	sbarrier.arrive $0xFFFF;
	s2 =	simm.s32 @!p0 $0x1C01  }
0x1ed: {  	[timem:s3], [sflag:s2] =	dma.local @!p0 [hbm:s0], s1  }
0x1ee: {  	s0 =	simm.s32 @!p0 $0x1  }
0x1ef: {  	_ =	swait.ge @!p0 [sflag:s0], s1  }
0x1f0: {  	s1 =	ssub.s32 @!p0 $0x0, s1;
	[sflag:s0] =	ssyncset.done @!p0 $0x0  }
0x1f1: {  	[sflag:s0] =	ssyncadd.s32 @!p0 s1  }
0x1f2: {  	[bflag:$0x3] =	sbarrier.arrive $0xFFFF  }
0x1f3: {  	_ =	shalt  }

</sc_bundles>
